<compile_context>
chip_gen: v7x
topology: tpu7x:2x2x1
jax: 0.10.2.dev20260603
libtpu: 0.0.44.dev20260713+nightly
codegen_flags: <defaults>
</compile_context>

<pallas_src>
import functools

import jax
import jax.numpy as jnp
from jax import lax
from jax.experimental import pallas as pl
from jax.experimental.pallas import tpu as pltpu
from jax.experimental.pallas import tpu_sc as plsc

N = 10000
DEG = 32
D = 128
S = 8
EPS = 1e-06

NC, NS, L = 2, 16, 16
NW = NC * NS
R_BIG, R_SML = 320, 304
NBIG = 17
QUADS_SML = R_SML // 4
GWIN = R_BIG // 4 + 8
GROWS = 2560

_KS0 = 0
_KS1 = 42
_KS2 = 0x1BD11BDA ^ _KS0 ^ _KS1
_ROTS = ((13, 15, 26, 6), (17, 29, 16, 24))


def _shr(x, n):
    return lax.shift_right_logical(x, jnp.full(x.shape, n, jnp.int32))


def _rotl(x, n):
    return jnp.left_shift(x, n) | _shr(x, 32 - n)


def _threefry_bits(cnt):
    ks = (jnp.int32(_KS0), jnp.int32(_KS1), jnp.int32(_KS2))
    x0 = jnp.zeros_like(cnt) + ks[0]
    x1 = cnt + ks[1]
    for rnd in range(5):
        for r in _ROTS[rnd % 2]:
            x0 = x0 + x1
            x1 = _rotl(x1, r) ^ x0
        x0 = x0 + ks[(rnd + 1) % 3]
        x1 = x1 + ks[(rnd + 2) % 3] + jnp.int32(rnd + 1)
    return x0 ^ x1


def _col_body(e_ref, o_ref):
    o_ref[...] = e_ref[1]


def _col_extract(edge_index):
    return pl.pallas_call(
        _col_body,
        out_shape=jax.ShapeDtypeStruct((N * DEG,), jnp.int32),
    )(edge_index)


NPAD = 10240
TCG = 10
LWBLK = NPAD // TCG
GBLK = GROWS // TCG


def _tc_body(x_ref, lw_ref, gum_ref):
    g = pl.program_id(0)
    r = lax.broadcasted_iota(jnp.int32, (GBLK, D), 0)
    c = lax.broadcasted_iota(jnp.int32, (GBLK, D), 1)
    cnt = (g * GBLK + r) * D + c
    bits = _threefry_bits(cnt)
    fl = _shr(bits, 9) | jnp.full(bits.shape, 0x3F800000, jnp.int32)
    uf = lax.bitcast_convert_type(fl, jnp.float32) - jnp.float32(1.0)
    mn = jnp.float32(1e-20)
    u = jnp.maximum(mn, uf * (jnp.float32(1.0) - mn) + mn)
    gum_ref[...] = -jnp.log(-jnp.log(u))
    xb = x_ref[...]
    lw = jnp.log(jnp.sum(xb * xb, axis=1, keepdims=True) + EPS)
    lw_ref[...] = jnp.reshape(jnp.transpose(lw, (1, 0)), (LWBLK,))


def _tc_tables(x):
    return pl.pallas_call(
        _tc_body,
        out_shape=(
            jax.ShapeDtypeStruct((NPAD,), jnp.float32),
            jax.ShapeDtypeStruct((GROWS, D), jnp.float32),
        ),
        grid=(TCG,),
        in_specs=[pl.BlockSpec((LWBLK, D), lambda g: (g, 0))],
        out_specs=(
            pl.BlockSpec((LWBLK,), lambda g: (g,)),
            pl.BlockSpec((GBLK, D), lambda g: (g, 0)),
        ),
    )(x)


def _sc_body(logw_hbm, col_hbm, gum_hbm, dst_hbm, src_hbm,
             logw_v, col_v, gum_v, dst_v, src_v):
    w = lax.axis_index("s") * NC + lax.axis_index("c")
    big = w < NBIG
    base = R_SML * w + (R_BIG - R_SML) * jnp.minimum(w, NBIG)
    lanes = lax.iota(jnp.int32, L)
    m8 = lanes < S
    gstart = pl.multiple_of((base // 32) * 8, 8)
    gdelta = base // 4 - gstart

    pltpu.sync_copy(logw_hbm, logw_v)
    pltpu.sync_copy(gum_hbm.at[pl.ds(gstart, GWIN)], gum_v)

    @pl.when(big)
    def _():
        pltpu.sync_copy(col_hbm.at[pl.ds(base * DEG, R_BIG * DEG)],
                        col_v.at[pl.ds(0, R_BIG * DEG)])

    @pl.when(jnp.logical_not(big))
    def _():
        pltpu.sync_copy(col_hbm.at[pl.ds(base * DEG, R_SML * DEG)],
                        col_v.at[pl.ds(0, R_SML * DEG)])

    def do_row(r):
        off = r * DEG
        grow = gdelta + off // 128
        gcol = off % 128
        iA = col_v[pl.ds(off, L)]
        iB = col_v[pl.ds(off + L, L)]
        gA = gum_v[grow, pl.ds(gcol, L)]
        gB = gum_v[grow, pl.ds(gcol + L, L)]
        kA = plsc.load_gather(logw_v, [iA]) + gA
        kB = plsc.load_gather(logw_v, [iB]) + gB
        sA, vA = plsc.sort_key_val(kA, iA, descending=True)
        sB, vB = plsc.sort_key_val(kB, iB)
        take = sA >= sB
        kM = jnp.where(take, sA, sB)
        vM = jnp.where(take, vA, vB)
        _, top = plsc.sort_key_val(kM, vM, descending=True)
        o = r * S + lanes
        plsc.store_scatter(dst_v, [o], top, mask=m8)
        plsc.store_scatter(src_v, [o], jnp.zeros((L,), jnp.int32) + (base + r),
                           mask=m8)

    @plsc.parallel_loop(0, R_SML, 1, unroll=8)
    def _(r):
        do_row(r)

    @pl.when(big)
    def _():
        @plsc.parallel_loop(R_SML, R_BIG, 1, unroll=8)
        def _(r):
            do_row(r)
        pltpu.sync_copy(dst_v.at[pl.ds(0, R_BIG * S)],
                        dst_hbm.at[pl.ds(base * S, R_BIG * S)])
        pltpu.sync_copy(src_v.at[pl.ds(0, R_BIG * S)],
                        src_hbm.at[pl.ds(base * S, R_BIG * S)])

    @pl.when(jnp.logical_not(big))
    def _():
        pltpu.sync_copy(dst_v.at[pl.ds(0, R_SML * S)],
                        dst_hbm.at[pl.ds(base * S, R_SML * S)])
        pltpu.sync_copy(src_v.at[pl.ds(0, R_SML * S)],
                        src_hbm.at[pl.ds(base * S, R_SML * S)])


def _sc_sample(logw, col, gum):
    mesh = plsc.VectorSubcoreMesh(core_axis_name="c", subcore_axis_name="s")
    k = functools.partial(
        pl.kernel,
        out_type=(
            jax.ShapeDtypeStruct((N * S,), jnp.int32),
            jax.ShapeDtypeStruct((N * S,), jnp.int32),
        ),
        mesh=mesh,
        compiler_params=pltpu.CompilerParams(needs_layout_passes=False),
        scratch_types=[
            pltpu.VMEM((NPAD,), jnp.float32),
            pltpu.VMEM((R_BIG * DEG,), jnp.int32),
            pltpu.VMEM((GWIN, D), jnp.float32),
            pltpu.VMEM((R_BIG * S,), jnp.int32),
            pltpu.VMEM((R_BIG * S,), jnp.int32),
        ],
    )(_sc_body)
    return k(logw, col, gum)


def _pack_body(s_ref, d_ref, o_ref):
    o_ref[0, :] = s_ref[...]
    o_ref[1, :] = d_ref[...]


def _pack(src, dst):
    return pl.pallas_call(
        _pack_body,
        out_shape=jax.ShapeDtypeStruct((2, N * S), jnp.int32),
    )(src, dst)


def kernel(x, edge_index):
    col = _col_extract(edge_index)
    logw, gum = _tc_tables(x)
    dst, src = _sc_sample(logw, col, gum)
    return _pack(src, dst)

# --- scband reference (transcript-rebuilt; emitter-appended) ---
"""Pipeline reference for scband-sampler-23210003268199 (READ-ONLY COPY).

The authoritative reference and input builder live on the scoring server;
editing this copy changes nothing except your own understanding.
"""

import jax, jax.numpy as jnp
import numpy as np

N = 10000
DEG = 32
D = 128
NUM_SAMPLES = 8
EPS = 1e-06

def setup_inputs(seed: int = 0) -> dict:
    key = jax.random.key(seed)
    k1, k2 = jax.random.split(key)
    x = jax.random.normal(k1, (N, D), dtype=jnp.float32)
    # fixed-degree adjacency in COO form: row is sorted (repeated arange), col is random neighbors < N
    row = jnp.repeat(jnp.arange(N, dtype=jnp.int32), DEG)
    col = jax.random.randint(k2, (N * DEG,), 0, N, dtype=jnp.int32)
    edge_index = jnp.stack([row, col])
    return {"x": x, "edge_index": edge_index}

def reference(x, edge_index):
    # Faithful vectorized translation of Sampler(mode='feature').forward:
    # per source node, sample NUM_SAMPLES neighbors without replacement with
    # probability proportional to ||x[nbr]||^2 + EPS (torch.multinomial semantics).
    # Gumbel top-k on log-weights == multinomial sampling without replacement.
    N_ = x.shape[0]
    col = edge_index[1]
    deg = col.shape[0] // N_
    nbrs = col.reshape(N_, deg)  # rows are sorted with fixed degree
    feats = jnp.take(x, nbrs, axis=0)          # gather [N, deg, d] -- memory bound
    scores = jnp.sum(feats * feats, axis=-1) + EPS  # [N, deg]
    u = jax.random.uniform(jax.random.key(42), scores.shape, minval=1e-20, maxval=1.0)
    gumbel = -jnp.log(-jnp.log(u))
    keys_ = jnp.log(scores) + gumbel
    _, idx = jax.lax.top_k(keys_, NUM_SAMPLES)      # [N, NUM_SAMPLES]
    new_dst = jnp.take_along_axis(nbrs, idx, axis=1).reshape(-1)
    new_src = jnp.repeat(jnp.arange(N_, dtype=new_dst.dtype), NUM_SAMPLES)
    return jnp.stack([new_src, new_dst])  # new sparse edge_index [2, N*NUM_SAMPLES]

if __name__ == "__main__":
    import jax
    _d = setup_inputs()
    print(jax.jit(kernel)(*tuple(_d.values())))

</pallas_src>

<mosaic_0001>
#map = affine_map<(d0, d1) -> (0)>
#map1 = affine_map<(d0, d1) -> (0, 0)>
module attributes {stable_mosaic.version = 14 : i64} {
  func.func @_sc_body(%arg0: i32, %arg1: i32, %arg2: memref<10240xf32, #tpu.memory_space<hbm>>, %arg3: memref<320000xi32, #tpu.memory_space<hbm>>, %arg4: memref<2560x128xf32, #tpu.memory_space<hbm>>, %arg5: memref<80000xi32, #tpu.memory_space<hbm>>, %arg6: memref<80000xi32, #tpu.memory_space<hbm>>, %arg7: memref<10240xf32, #tpu.memory_space<vmem>>, %arg8: memref<10240xi32, #tpu.memory_space<vmem>>, %arg9: memref<88x128xf32, #tpu.memory_space<vmem>>, %arg10: memref<2560xi32, #tpu.memory_space<vmem>>, %arg11: memref<2560xi32, #tpu.memory_space<vmem>>) attributes {dimension_semantics = [#tpu.dimension_semantics<core_parallel>, #tpu.dimension_semantics<subcore_parallel>], iteration_bounds = array<i64: 2, 16>, scalar_prefetch = 0 : i64, scratch_operands = 5 : i64, tpu.core_type = #tpu.core_type<sc_vector_subcore>, window_params = [{transform_indices = #map}, {transform_indices = #map}, {transform_indices = #map1}, {transform_indices = #map}, {transform_indices = #map}]} {
    %mul3A = arith.constant 2 : i32
    %mul3A_0 = arith.muli %arg1, %mul3A : i32
    %add3A = arith.addi %mul3A_0, %arg0 : i32
    %lt3A = arith.constant 17 : i32
    %lt3A_1 = arith.cmpi slt, %add3A, %lt3A : i32
    %mul3A_2 = arith.constant 304 : i32
    %mul3A_3 = arith.muli %mul3A_2, %add3A : i32
    %min3A = arith.constant 17 : i32
    %min3A_4 = arith.minsi %add3A, %min3A : i32
    %mul3A_5 = arith.constant 16 : i32
    %mul3A_6 = arith.muli %mul3A_5, %min3A_4 : i32
    %add3A_7 = arith.addi %mul3A_3, %mul3A_6 : i32
    %iota3A = tpu.iota {dimensions = array<i32: 0>} : vector<16xi32>
    %lt3A_8 = arith.constant 8 : i32
    %lt3A_9 = vector.broadcast %lt3A_8 : i32 to vector<16xi32>
    %lt3A_10 = arith.cmpi slt, %iota3A, %lt3A_9 : vector<16xi32>
    %jit3A = arith.constant 32 : i32
    %div3A = arith.divsi %add3A_7, %jit3A : i32
    %sign3A = arith.constant 0 : i32
    %sign3A_11 = arith.cmpi sgt, %add3A_7, %sign3A : i32
    %sign3A_12 = arith.extui %sign3A_11 : i1 to i32
    %sign3A_13 = arith.constant 0 : i32
    %sign3A_14 = arith.cmpi slt, %add3A_7, %sign3A_13 : i32
    %sign3A_15 = arith.extui %sign3A_14 : i1 to i32
    %sign3A_16 = arith.subi %sign3A_12, %sign3A_15 : i32
    %sign3A_17 = arith.constant 0 : i32
    %sign3A_18 = arith.cmpi sgt, %jit3A, %sign3A_17 : i32
    %sign3A_19 = arith.extui %sign3A_18 : i1 to i32
    %sign3A_20 = arith.constant 0 : i32
    %sign3A_21 = arith.cmpi slt, %jit3A, %sign3A_20 : i32
    %sign3A_22 = arith.extui %sign3A_21 : i1 to i32
    %sign3A_23 = arith.subi %sign3A_19, %sign3A_22 : i32
    %ne3A = arith.cmpi ne, %sign3A_16, %sign3A_23 : i32
    %rem3A = arith.remsi %add3A_7, %jit3A : i32
    %ne3A_24 = arith.constant 0 : i32
    %ne3A_25 = arith.cmpi ne, %rem3A, %ne3A_24 : i32
    %and3A = arith.andi %ne3A, %ne3A_25 : i1
    %sub3A = arith.constant 1 : i32
    %sub3A_26 = arith.subi %div3A, %sub3A : i32
    %select_n3A = arith.select %and3A, %sub3A_26, %div3A : i32
    %mul3A_27 = arith.constant 8 : i32
    %mul3A_28 = arith.muli %select_n3A, %mul3A_27 : i32
    %multiple_of3A = tpu.assume_multiple %mul3A_28, 8 : i32
    %jit3A_29 = arith.constant 4 : i32
    %div3A_30 = arith.divsi %add3A_7, %jit3A_29 : i32
    %sign3A_31 = arith.constant 0 : i32
    %sign3A_32 = arith.cmpi sgt, %add3A_7, %sign3A_31 : i32
    %sign3A_33 = arith.extui %sign3A_32 : i1 to i32
    %sign3A_34 = arith.constant 0 : i32
    %sign3A_35 = arith.cmpi slt, %add3A_7, %sign3A_34 : i32
    %sign3A_36 = arith.extui %sign3A_35 : i1 to i32
    %sign3A_37 = arith.subi %sign3A_33, %sign3A_36 : i32
    %sign3A_38 = arith.constant 0 : i32
    %sign3A_39 = arith.cmpi sgt, %jit3A_29, %sign3A_38 : i32
    %sign3A_40 = arith.extui %sign3A_39 : i1 to i32
    %sign3A_41 = arith.constant 0 : i32
    %sign3A_42 = arith.cmpi slt, %jit3A_29, %sign3A_41 : i32
    %sign3A_43 = arith.extui %sign3A_42 : i1 to i32
    %sign3A_44 = arith.subi %sign3A_40, %sign3A_43 : i32
    %ne3A_45 = arith.cmpi ne, %sign3A_37, %sign3A_44 : i32
    %rem3A_46 = arith.remsi %add3A_7, %jit3A_29 : i32
    %ne3A_47 = arith.constant 0 : i32
    %ne3A_48 = arith.cmpi ne, %rem3A_46, %ne3A_47 : i32
    %and3A_49 = arith.andi %ne3A_45, %ne3A_48 : i1
    %sub3A_50 = arith.constant 1 : i32
    %sub3A_51 = arith.subi %div3A_30, %sub3A_50 : i32
    %select_n3A_52 = arith.select %and3A_49, %sub3A_51, %div3A_30 : i32
    %sub3A_53 = arith.subi %select_n3A_52, %multiple_of3A : i32
    "tpu.region"() ({
      %run_scoped3A = tpu.sem_alloc : memref<!tpu.dma_semaphore, #tpu.memory_space<semaphore_mem>>
      tpu.enqueue_dma source(%arg2 : memref<10240xf32, #tpu.memory_space<hbm>>) target(%arg7 : memref<10240xf32, #tpu.memory_space<vmem>>) target_semaphore(%run_scoped3A : memref<!tpu.dma_semaphore, #tpu.memory_space<semaphore_mem>>)
      tpu.wait_dma2 semaphore(%run_scoped3A : memref<!tpu.dma_semaphore, #tpu.memory_space<semaphore_mem>>) src(%arg2 : memref<10240xf32, #tpu.memory_space<hbm>>) dst(%arg7 : memref<10240xf32, #tpu.memory_space<vmem>>)
      tpu.yield
    }) : () -> ()
    "tpu.region"() ({
      %run_scoped3A = tpu.sem_alloc : memref<!tpu.dma_semaphore, #tpu.memory_space<semaphore_mem>>
      %dma_start3A = arith.constant 0 : i32
      %dma_start3A_69 = tpu.memref_slice %arg4[%multiple_of3A, %dma_start3A] : memref<2560x128xf32, #tpu.memory_space<hbm>> -> memref<88x128xf32, #tpu.memory_space<hbm>>
      %dma_start3A_70 = arith.constant 0 : i32
      %dma_start3A_71 = tpu.memref_slice %arg4[%multiple_of3A, %dma_start3A_70] : memref<2560x128xf32, #tpu.memory_space<hbm>> -> memref<88x128xf32, #tpu.memory_space<hbm>>
      tpu.enqueue_dma source(%dma_start3A_71 : memref<88x128xf32, #tpu.memory_space<hbm>>) target(%arg9 : memref<88x128xf32, #tpu.memory_space<vmem>>) target_semaphore(%run_scoped3A : memref<!tpu.dma_semaphore, #tpu.memory_space<semaphore_mem>>)
      %dma_wait3A = arith.constant 0 : i32
      %dma_wait3A_72 = tpu.memref_slice %arg4[%multiple_of3A, %dma_wait3A] : memref<2560x128xf32, #tpu.memory_space<hbm>> -> memref<88x128xf32, #tpu.memory_space<hbm>>
      %dma_wait3A_73 = arith.constant 0 : i32
      %dma_wait3A_74 = tpu.memref_slice %arg4[%multiple_of3A, %dma_wait3A_73] : memref<2560x128xf32, #tpu.memory_space<hbm>> -> memref<88x128xf32, #tpu.memory_space<hbm>>
      tpu.wait_dma2 semaphore(%run_scoped3A : memref<!tpu.dma_semaphore, #tpu.memory_space<semaphore_mem>>) src(%dma_wait3A_74 : memref<88x128xf32, #tpu.memory_space<hbm>>) dst(%arg9 : memref<88x128xf32, #tpu.memory_space<vmem>>)
      tpu.yield
    }) : () -> ()
    %convert_element_type3A = arith.extui %lt3A_1 : i1 to i32
    %cond3A = arith.constant 0 : i32
    %cond3A_54 = arith.cmpi ne, %convert_element_type3A, %cond3A : i32
    scf.if %cond3A_54 {
      %mul3A_69 = arith.constant 32 : i32
      %mul3A_70 = arith.muli %add3A_7, %mul3A_69 : i32
      "tpu.region"() ({
        %run_scoped3A = tpu.sem_alloc : memref<!tpu.dma_semaphore, #tpu.memory_space<semaphore_mem>>
        %dma_start3A = arith.constant 0 : i32
        %dma_start3A_71 = tpu.memref_slice %arg8[%dma_start3A] : memref<10240xi32, #tpu.memory_space<vmem>> -> memref<10240xi32, #tpu.memory_space<vmem>>
        %dma_start3A_72 = tpu.memref_slice %arg3[%mul3A_70] : memref<320000xi32, #tpu.memory_space<hbm>> -> memref<10240xi32, #tpu.memory_space<hbm>>
        %dma_start3A_73 = arith.constant 0 : i32
        %dma_start3A_74 = tpu.memref_slice %arg8[%dma_start3A_73] : memref<10240xi32, #tpu.memory_space<vmem>> -> memref<10240xi32, #tpu.memory_space<vmem>>
        %dma_start3A_75 = tpu.memref_slice %arg3[%mul3A_70] : memref<320000xi32, #tpu.memory_space<hbm>> -> memref<10240xi32, #tpu.memory_space<hbm>>
        tpu.enqueue_dma source(%dma_start3A_75 : memref<10240xi32, #tpu.memory_space<hbm>>) target(%dma_start3A_74 : memref<10240xi32, #tpu.memory_space<vmem>>) target_semaphore(%run_scoped3A : memref<!tpu.dma_semaphore, #tpu.memory_space<semaphore_mem>>)
        %dma_wait3A = arith.constant 0 : i32
        %dma_wait3A_76 = tpu.memref_slice %arg8[%dma_wait3A] : memref<10240xi32, #tpu.memory_space<vmem>> -> memref<10240xi32, #tpu.memory_space<vmem>>
        %dma_wait3A_77 = tpu.memref_slice %arg3[%mul3A_70] : memref<320000xi32, #tpu.memory_space<hbm>> -> memref<10240xi32, #tpu.memory_space<hbm>>
        %dma_wait3A_78 = arith.constant 0 : i32
        %dma_wait3A_79 = tpu.memref_slice %arg8[%dma_wait3A_78] : memref<10240xi32, #tpu.memory_space<vmem>> -> memref<10240xi32, #tpu.memory_space<vmem>>
        %dma_wait3A_80 = tpu.memref_slice %arg3[%mul3A_70] : memref<320000xi32, #tpu.memory_space<hbm>> -> memref<10240xi32, #tpu.memory_space<hbm>>
        tpu.wait_dma2 semaphore(%run_scoped3A : memref<!tpu.dma_semaphore, #tpu.memory_space<semaphore_mem>>) src(%dma_wait3A_80 : memref<10240xi32, #tpu.memory_space<hbm>>) dst(%dma_wait3A_79 : memref<10240xi32, #tpu.memory_space<vmem>>)
        tpu.yield
      }) : () -> ()
    } else {
    }
    %not3A = arith.constant true
    %not3A_55 = arith.xori %lt3A_1, %not3A : i1
    %convert_element_type3A_56 = arith.extui %not3A_55 : i1 to i32
    %cond3A_57 = arith.constant 0 : i32
    %cond3A_58 = arith.cmpi ne, %convert_element_type3A_56, %cond3A_57 : i32
    scf.if %cond3A_58 {
      %mul3A_69 = arith.constant 32 : i32
      %mul3A_70 = arith.muli %add3A_7, %mul3A_69 : i32
      "tpu.region"() ({
        %run_scoped3A = tpu.sem_alloc : memref<!tpu.dma_semaphore, #tpu.memory_space<semaphore_mem>>
        %dma_start3A = arith.constant 0 : i32
        %dma_start3A_71 = tpu.memref_slice %arg8[%dma_start3A] : memref<10240xi32, #tpu.memory_space<vmem>> -> memref<9728xi32, #tpu.memory_space<vmem>>
        %dma_start3A_72 = tpu.memref_slice %arg3[%mul3A_70] : memref<320000xi32, #tpu.memory_space<hbm>> -> memref<9728xi32, #tpu.memory_space<hbm>>
        %dma_start3A_73 = arith.constant 0 : i32
        %dma_start3A_74 = tpu.memref_slice %arg8[%dma_start3A_73] : memref<10240xi32, #tpu.memory_space<vmem>> -> memref<9728xi32, #tpu.memory_space<vmem>>
        %dma_start3A_75 = tpu.memref_slice %arg3[%mul3A_70] : memref<320000xi32, #tpu.memory_space<hbm>> -> memref<9728xi32, #tpu.memory_space<hbm>>
        tpu.enqueue_dma source(%dma_start3A_75 : memref<9728xi32, #tpu.memory_space<hbm>>) target(%dma_start3A_74 : memref<9728xi32, #tpu.memory_space<vmem>>) target_semaphore(%run_scoped3A : memref<!tpu.dma_semaphore, #tpu.memory_space<semaphore_mem>>)
        %dma_wait3A = arith.constant 0 : i32
        %dma_wait3A_76 = tpu.memref_slice %arg8[%dma_wait3A] : memref<10240xi32, #tpu.memory_space<vmem>> -> memref<9728xi32, #tpu.memory_space<vmem>>
        %dma_wait3A_77 = tpu.memref_slice %arg3[%mul3A_70] : memref<320000xi32, #tpu.memory_space<hbm>> -> memref<9728xi32, #tpu.memory_space<hbm>>
        %dma_wait3A_78 = arith.constant 0 : i32
        %dma_wait3A_79 = tpu.memref_slice %arg8[%dma_wait3A_78] : memref<10240xi32, #tpu.memory_space<vmem>> -> memref<9728xi32, #tpu.memory_space<vmem>>
        %dma_wait3A_80 = tpu.memref_slice %arg3[%mul3A_70] : memref<320000xi32, #tpu.memory_space<hbm>> -> memref<9728xi32, #tpu.memory_space<hbm>>
        tpu.wait_dma2 semaphore(%run_scoped3A : memref<!tpu.dma_semaphore, #tpu.memory_space<semaphore_mem>>) src(%dma_wait3A_80 : memref<9728xi32, #tpu.memory_space<hbm>>) dst(%dma_wait3A_79 : memref<9728xi32, #tpu.memory_space<vmem>>)
        tpu.yield
      }) : () -> ()
    } else {
    }
    %parallel_loop3A = arith.constant 0 : i32
    %parallel_loop3A_59 = arith.constant 304 : i32
    %parallel_loop3A_60 = arith.constant 1 : i32
    scf.for %parallel_loop3A_69 = %parallel_loop3A to %parallel_loop3A_59 step %parallel_loop3A_60  : i32 {
      %parallel_loop3A_70 = arith.constant 32 : i32
      %parallel_loop3A_71 = arith.muli %parallel_loop3A_69, %parallel_loop3A_70 : i32
      %parallel_loop3A_72 = arith.constant 128 : i32
      %parallel_loop3A_73 = arith.divsi %parallel_loop3A_71, %parallel_loop3A_72 : i32
      %parallel_loop3A_74 = arith.constant 0 : i32
      %parallel_loop3A_75 = arith.cmpi sgt, %parallel_loop3A_71, %parallel_loop3A_74 : i32
      %parallel_loop3A_76 = arith.extui %parallel_loop3A_75 : i1 to i32
      %parallel_loop3A_77 = arith.constant 0 : i32
      %parallel_loop3A_78 = arith.cmpi slt, %parallel_loop3A_71, %parallel_loop3A_77 : i32
      %parallel_loop3A_79 = arith.extui %parallel_loop3A_78 : i1 to i32
      %parallel_loop3A_80 = arith.subi %parallel_loop3A_76, %parallel_loop3A_79 : i32
      %parallel_loop3A_81 = arith.constant 0 : i32
      %parallel_loop3A_82 = arith.cmpi sgt, %parallel_loop3A_72, %parallel_loop3A_81 : i32
      %parallel_loop3A_83 = arith.extui %parallel_loop3A_82 : i1 to i32
      %parallel_loop3A_84 = arith.constant 0 : i32
      %parallel_loop3A_85 = arith.cmpi slt, %parallel_loop3A_72, %parallel_loop3A_84 : i32
      %parallel_loop3A_86 = arith.extui %parallel_loop3A_85 : i1 to i32
      %parallel_loop3A_87 = arith.subi %parallel_loop3A_83, %parallel_loop3A_86 : i32
      %parallel_loop3A_88 = arith.cmpi ne, %parallel_loop3A_80, %parallel_loop3A_87 : i32
      %parallel_loop3A_89 = arith.remsi %parallel_loop3A_71, %parallel_loop3A_72 : i32
      %parallel_loop3A_90 = arith.constant 0 : i32
      %parallel_loop3A_91 = arith.cmpi ne, %parallel_loop3A_89, %parallel_loop3A_90 : i32
      %parallel_loop3A_92 = arith.andi %parallel_loop3A_88, %parallel_loop3A_91 : i1
      %parallel_loop3A_93 = arith.constant 1 : i32
      %parallel_loop3A_94 = arith.subi %parallel_loop3A_73, %parallel_loop3A_93 : i32
      %parallel_loop3A_95 = arith.select %parallel_loop3A_92, %parallel_loop3A_94, %parallel_loop3A_73 : i32
      %parallel_loop3A_96 = arith.addi %sub3A_53, %parallel_loop3A_95 : i32
      %parallel_loop3A_97 = arith.constant 128 : i32
      %parallel_loop3A_98 = arith.constant 0 : i32
      %parallel_loop3A_99 = arith.cmpi eq, %parallel_loop3A_97, %parallel_loop3A_98 : i32
      %parallel_loop3A_100 = arith.constant 1 : i32
      %parallel_loop3A_101 = arith.select %parallel_loop3A_99, %parallel_loop3A_100, %parallel_loop3A_97 : i32
      %parallel_loop3A_102 = arith.remsi %parallel_loop3A_71, %parallel_loop3A_101 : i32
      %parallel_loop3A_103 = arith.constant 0 : i32
      %parallel_loop3A_104 = arith.cmpi ne, %parallel_loop3A_102, %parallel_loop3A_103 : i32
      %parallel_loop3A_105 = arith.constant 0 : i32
      %parallel_loop3A_106 = arith.cmpi slt, %parallel_loop3A_102, %parallel_loop3A_105 : i32
      %parallel_loop3A_107 = arith.constant 0 : i32
      %parallel_loop3A_108 = arith.cmpi slt, %parallel_loop3A_101, %parallel_loop3A_107 : i32
      %parallel_loop3A_109 = arith.xori %parallel_loop3A_106, %parallel_loop3A_108 : i1
      %parallel_loop3A_110 = arith.andi %parallel_loop3A_109, %parallel_loop3A_104 : i1
      %parallel_loop3A_111 = arith.addi %parallel_loop3A_102, %parallel_loop3A_101 : i32
      %parallel_loop3A_112 = arith.select %parallel_loop3A_110, %parallel_loop3A_111, %parallel_loop3A_102 : i32
      %parallel_loop3A_113 = arith.index_cast %parallel_loop3A_71 : i32 to index
      %parallel_loop3A_114 = tpu.vector_load %arg8[%parallel_loop3A_113] {strides = array<i32>} : memref<10240xi32, #tpu.memory_space<vmem>>, vector<16xi32>,
      %parallel_loop3A_115 = arith.constant 16 : i32
      %parallel_loop3A_116 = arith.addi %parallel_loop3A_71, %parallel_loop3A_115 : i32
      %parallel_loop3A_117 = arith.index_cast %parallel_loop3A_116 : i32 to index
      %parallel_loop3A_118 = tpu.vector_load %arg8[%parallel_loop3A_117] {strides = array<i32>} : memref<10240xi32, #tpu.memory_space<vmem>>, vector<16xi32>,
      %parallel_loop3A_119 = arith.index_cast %parallel_loop3A_96 : i32 to index
      %parallel_loop3A_120 = arith.index_cast %parallel_loop3A_112 : i32 to index
      %parallel_loop3A_121 = tpu.vector_load %arg9[%parallel_loop3A_119, %parallel_loop3A_120] {strides = array<i32>} : memref<88x128xf32, #tpu.memory_space<vmem>>, vector<16xf32>,
      %parallel_loop3A_122 = arith.constant 16 : i32
      %parallel_loop3A_123 = arith.addi %parallel_loop3A_112, %parallel_loop3A_122 : i32
      %parallel_loop3A_124 = arith.index_cast %parallel_loop3A_96 : i32 to index
      %parallel_loop3A_125 = arith.index_cast %parallel_loop3A_123 : i32 to index
      %parallel_loop3A_126 = tpu.vector_load %arg9[%parallel_loop3A_124, %parallel_loop3A_125] {strides = array<i32>} : memref<88x128xf32, #tpu.memory_space<vmem>>, vector<16xf32>,
      %parallel_loop3A_127 = tpu.vector_load_idx %arg7[%parallel_loop3A_114] : memref<10240xf32, #tpu.memory_space<vmem>>[vector<16xi32>], vector<16xf32>,
      %parallel_loop3A_128 = arith.addf %parallel_loop3A_127, %parallel_loop3A_121 : vector<16xf32>
      %parallel_loop3A_129 = tpu.vector_load_idx %arg7[%parallel_loop3A_118] : memref<10240xf32, #tpu.memory_space<vmem>>[vector<16xi32>], vector<16xf32>,
      %parallel_loop3A_130 = arith.addf %parallel_loop3A_129, %parallel_loop3A_126 : vector<16xf32>
      %parallel_loop3A_131 = arith.constant dense<true> : vector<16xi1>
      %parallel_loop3A_132, %parallel_loop3A_133, %parallel_loop3A_134 = tpu.sort %parallel_loop3A_128, %parallel_loop3A_114 masked %parallel_loop3A_131 {descending = true} : (vector<16xf32>, vector<16xi32>, vector<16xi1>) -> (vector<16xi1>, vector<16xf32>, vector<16xi32>)
      %parallel_loop3A_135 = arith.constant dense<true> : vector<16xi1>
      %parallel_loop3A_136, %parallel_loop3A_137, %parallel_loop3A_138 = tpu.sort %parallel_loop3A_130, %parallel_loop3A_118 masked %parallel_loop3A_135 : (vector<16xf32>, vector<16xi32>, vector<16xi1>) -> (vector<16xi1>, vector<16xf32>, vector<16xi32>)
      %parallel_loop3A_139 = arith.cmpf oge, %parallel_loop3A_133, %parallel_loop3A_137 : vector<16xf32>
      %parallel_loop3A_140 = arith.select %parallel_loop3A_139, %parallel_loop3A_133, %parallel_loop3A_137 : vector<16xi1>, vector<16xf32>
      %parallel_loop3A_141 = arith.select %parallel_loop3A_139, %parallel_loop3A_134, %parallel_loop3A_138 : vector<16xi1>, vector<16xi32>
      %parallel_loop3A_142 = arith.constant dense<true> : vector<16xi1>
      %parallel_loop3A_143, %parallel_loop3A_144, %parallel_loop3A_145 = tpu.sort %parallel_loop3A_140, %parallel_loop3A_141 masked %parallel_loop3A_142 {descending = true} : (vector<16xf32>, vector<16xi32>, vector<16xi1>) -> (vector<16xi1>, vector<16xf32>, vector<16xi32>)
      %parallel_loop3A_146 = arith.constant 8 : i32
      %parallel_loop3A_147 = arith.muli %parallel_loop3A_69, %parallel_loop3A_146 : i32
      %parallel_loop3A_148 = vector.broadcast %parallel_loop3A_147 : i32 to vector<16xi32>
      %parallel_loop3A_149 = arith.addi %parallel_loop3A_148, %iota3A : vector<16xi32>
      tpu.vector_store_idx %arg10[%parallel_loop3A_149], %parallel_loop3A_145 masked %lt3A_10 : memref<2560xi32, #tpu.memory_space<vmem>>[vector<16xi32>], vector<16xi32>, vector<16xi1>
      %parallel_loop3A_150 = arith.constant 0 : i32
      %parallel_loop3A_151 = vector.broadcast %parallel_loop3A_150 : i32 to vector<16xi32>
      %parallel_loop3A_152 = arith.addi %add3A_7, %parallel_loop3A_69 : i32
      %parallel_loop3A_153 = vector.broadcast %parallel_loop3A_152 : i32 to vector<16xi32>
      %parallel_loop3A_154 = arith.addi %parallel_loop3A_151, %parallel_loop3A_153 : vector<16xi32>
      tpu.vector_store_idx %arg11[%parallel_loop3A_149], %parallel_loop3A_154 masked %lt3A_10 : memref<2560xi32, #tpu.memory_space<vmem>>[vector<16xi32>], vector<16xi32>, vector<16xi1>
    } {sc.loop_unroll_factor = 8 : i64, sc.parallel_access}
    %convert_element_type3A_61 = arith.extui %lt3A_1 : i1 to i32
    %cond3A_62 = arith.constant 0 : i32
    %cond3A_63 = arith.cmpi ne, %convert_element_type3A_61, %cond3A_62 : i32
    scf.if %cond3A_63 {
      %parallel_loop3A_69 = arith.constant 304 : i32
      %parallel_loop3A_70 = arith.constant 320 : i32
      %parallel_loop3A_71 = arith.constant 1 : i32
      scf.for %parallel_loop3A_76 = %parallel_loop3A_69 to %parallel_loop3A_70 step %parallel_loop3A_71  : i32 {
        %parallel_loop3A_77 = arith.constant 32 : i32
        %parallel_loop3A_78 = arith.muli %parallel_loop3A_76, %parallel_loop3A_77 : i32
        %parallel_loop3A_79 = arith.constant 128 : i32
        %parallel_loop3A_80 = arith.divsi %parallel_loop3A_78, %parallel_loop3A_79 : i32
        %parallel_loop3A_81 = arith.constant 0 : i32
        %parallel_loop3A_82 = arith.cmpi sgt, %parallel_loop3A_78, %parallel_loop3A_81 : i32
        %parallel_loop3A_83 = arith.extui %parallel_loop3A_82 : i1 to i32
        %parallel_loop3A_84 = arith.constant 0 : i32
        %parallel_loop3A_85 = arith.cmpi slt, %parallel_loop3A_78, %parallel_loop3A_84 : i32
        %parallel_loop3A_86 = arith.extui %parallel_loop3A_85 : i1 to i32
        %parallel_loop3A_87 = arith.subi %parallel_loop3A_83, %parallel_loop3A_86 : i32
        %parallel_loop3A_88 = arith.constant 0 : i32
        %parallel_loop3A_89 = arith.cmpi sgt, %parallel_loop3A_79, %parallel_loop3A_88 : i32
        %parallel_loop3A_90 = arith.extui %parallel_loop3A_89 : i1 to i32
        %parallel_loop3A_91 = arith.constant 0 : i32
        %parallel_loop3A_92 = arith.cmpi slt, %parallel_loop3A_79, %parallel_loop3A_91 : i32
        %parallel_loop3A_93 = arith.extui %parallel_loop3A_92 : i1 to i32
        %parallel_loop3A_94 = arith.subi %parallel_loop3A_90, %parallel_loop3A_93 : i32
        %parallel_loop3A_95 = arith.cmpi ne, %parallel_loop3A_87, %parallel_loop3A_94 : i32
        %parallel_loop3A_96 = arith.remsi %parallel_loop3A_78, %parallel_loop3A_79 : i32
        %parallel_loop3A_97 = arith.constant 0 : i32
        %parallel_loop3A_98 = arith.cmpi ne, %parallel_loop3A_96, %parallel_loop3A_97 : i32
        %parallel_loop3A_99 = arith.andi %parallel_loop3A_95, %parallel_loop3A_98 : i1
        %parallel_loop3A_100 = arith.constant 1 : i32
        %parallel_loop3A_101 = arith.subi %parallel_loop3A_80, %parallel_loop3A_100 : i32
        %parallel_loop3A_102 = arith.select %parallel_loop3A_99, %parallel_loop3A_101, %parallel_loop3A_80 : i32
        %parallel_loop3A_103 = arith.addi %sub3A_53, %parallel_loop3A_102 : i32
        %parallel_loop3A_104 = arith.constant 128 : i32
        %parallel_loop3A_105 = arith.constant 0 : i32
        %parallel_loop3A_106 = arith.cmpi eq, %parallel_loop3A_104, %parallel_loop3A_105 : i32
        %parallel_loop3A_107 = arith.constant 1 : i32
        %parallel_loop3A_108 = arith.select %parallel_loop3A_106, %parallel_loop3A_107, %parallel_loop3A_104 : i32
        %parallel_loop3A_109 = arith.remsi %parallel_loop3A_78, %parallel_loop3A_108 : i32
        %parallel_loop3A_110 = arith.constant 0 : i32
        %parallel_loop3A_111 = arith.cmpi ne, %parallel_loop3A_109, %parallel_loop3A_110 : i32
        %parallel_loop3A_112 = arith.constant 0 : i32
        %parallel_loop3A_113 = arith.cmpi slt, %parallel_loop3A_109, %parallel_loop3A_112 : i32
        %parallel_loop3A_114 = arith.constant 0 : i32
        %parallel_loop3A_115 = arith.cmpi slt, %parallel_loop3A_108, %parallel_loop3A_114 : i32
        %parallel_loop3A_116 = arith.xori %parallel_loop3A_113, %parallel_loop3A_115 : i1
        %parallel_loop3A_117 = arith.andi %parallel_loop3A_116, %parallel_loop3A_111 : i1
        %parallel_loop3A_118 = arith.addi %parallel_loop3A_109, %parallel_loop3A_108 : i32
        %parallel_loop3A_119 = arith.select %parallel_loop3A_117, %parallel_loop3A_118, %parallel_loop3A_109 : i32
        %parallel_loop3A_120 = arith.index_cast %parallel_loop3A_78 : i32 to index
        %parallel_loop3A_121 = tpu.vector_load %arg8[%parallel_loop3A_120] {strides = array<i32>} : memref<10240xi32, #tpu.memory_space<vmem>>, vector<16xi32>,
        %parallel_loop3A_122 = arith.constant 16 : i32
        %parallel_loop3A_123 = arith.addi %parallel_loop3A_78, %parallel_loop3A_122 : i32
        %parallel_loop3A_124 = arith.index_cast %parallel_loop3A_123 : i32 to index
        %parallel_loop3A_125 = tpu.vector_load %arg8[%parallel_loop3A_124] {strides = array<i32>} : memref<10240xi32, #tpu.memory_space<vmem>>, vector<16xi32>,
        %parallel_loop3A_126 = arith.index_cast %parallel_loop3A_103 : i32 to index
        %parallel_loop3A_127 = arith.index_cast %parallel_loop3A_119 : i32 to index
        %parallel_loop3A_128 = tpu.vector_load %arg9[%parallel_loop3A_126, %parallel_loop3A_127] {strides = array<i32>} : memref<88x128xf32, #tpu.memory_space<vmem>>, vector<16xf32>,
        %parallel_loop3A_129 = arith.constant 16 : i32
        %parallel_loop3A_130 = arith.addi %parallel_loop3A_119, %parallel_loop3A_129 : i32
        %parallel_loop3A_131 = arith.index_cast %parallel_loop3A_103 : i32 to index
        %parallel_loop3A_132 = arith.index_cast %parallel_loop3A_130 : i32 to index
        %parallel_loop3A_133 = tpu.vector_load %arg9[%parallel_loop3A_131, %parallel_loop3A_132] {strides = array<i32>} : memref<88x128xf32, #tpu.memory_space<vmem>>, vector<16xf32>,
        %parallel_loop3A_134 = tpu.vector_load_idx %arg7[%parallel_loop3A_121] : memref<10240xf32, #tpu.memory_space<vmem>>[vector<16xi32>], vector<16xf32>,
        %parallel_loop3A_135 = arith.addf %parallel_loop3A_134, %parallel_loop3A_128 : vector<16xf32>
        %parallel_loop3A_136 = tpu.vector_load_idx %arg7[%parallel_loop3A_125] : memref<10240xf32, #tpu.memory_space<vmem>>[vector<16xi32>], vector<16xf32>,
        %parallel_loop3A_137 = arith.addf %parallel_loop3A_136, %parallel_loop3A_133 : vector<16xf32>
        %parallel_loop3A_138 = arith.constant dense<true> : vector<16xi1>
        %parallel_loop3A_139, %parallel_loop3A_140, %parallel_loop3A_141 = tpu.sort %parallel_loop3A_135, %parallel_loop3A_121 masked %parallel_loop3A_138 {descending = true} : (vector<16xf32>, vector<16xi32>, vector<16xi1>) -> (vector<16xi1>, vector<16xf32>, vector<16xi32>)
        %parallel_loop3A_142 = arith.constant dense<true> : vector<16xi1>
        %parallel_loop3A_143, %parallel_loop3A_144, %parallel_loop3A_145 = tpu.sort %parallel_loop3A_137, %parallel_loop3A_125 masked %parallel_loop3A_142 : (vector<16xf32>, vector<16xi32>, vector<16xi1>) -> (vector<16xi1>, vector<16xf32>, vector<16xi32>)
        %parallel_loop3A_146 = arith.cmpf oge, %parallel_loop3A_140, %parallel_loop3A_144 : vector<16xf32>
        %parallel_loop3A_147 = arith.select %parallel_loop3A_146, %parallel_loop3A_140, %parallel_loop3A_144 : vector<16xi1>, vector<16xf32>
        %parallel_loop3A_148 = arith.select %parallel_loop3A_146, %parallel_loop3A_141, %parallel_loop3A_145 : vector<16xi1>, vector<16xi32>
        %parallel_loop3A_149 = arith.constant dense<true> : vector<16xi1>
        %parallel_loop3A_150, %parallel_loop3A_151, %parallel_loop3A_152 = tpu.sort %parallel_loop3A_147, %parallel_loop3A_148 masked %parallel_loop3A_149 {descending = true} : (vector<16xf32>, vector<16xi32>, vector<16xi1>) -> (vector<16xi1>, vector<16xf32>, vector<16xi32>)
        %parallel_loop3A_153 = arith.constant 8 : i32
        %parallel_loop3A_154 = arith.muli %parallel_loop3A_76, %parallel_loop3A_153 : i32
        %parallel_loop3A_155 = vector.broadcast %parallel_loop3A_154 : i32 to vector<16xi32>
        %parallel_loop3A_156 = arith.addi %parallel_loop3A_155, %iota3A : vector<16xi32>
        tpu.vector_store_idx %arg10[%parallel_loop3A_156], %parallel_loop3A_152 masked %lt3A_10 : memref<2560xi32, #tpu.memory_space<vmem>>[vector<16xi32>], vector<16xi32>, vector<16xi1>
        %parallel_loop3A_157 = arith.constant 0 : i32
        %parallel_loop3A_158 = vector.broadcast %parallel_loop3A_157 : i32 to vector<16xi32>
        %parallel_loop3A_159 = arith.addi %add3A_7, %parallel_loop3A_76 : i32
        %parallel_loop3A_160 = vector.broadcast %parallel_loop3A_159 : i32 to vector<16xi32>
        %parallel_loop3A_161 = arith.addi %parallel_loop3A_158, %parallel_loop3A_160 : vector<16xi32>
        tpu.vector_store_idx %arg11[%parallel_loop3A_156], %parallel_loop3A_161 masked %lt3A_10 : memref<2560xi32, #tpu.memory_space<vmem>>[vector<16xi32>], vector<16xi32>, vector<16xi1>
      } {sc.loop_unroll_factor = 8 : i64, sc.parallel_access}
      %mul3A_72 = arith.constant 8 : i32
      %mul3A_73 = arith.muli %add3A_7, %mul3A_72 : i32
      "tpu.region"() ({
        %run_scoped3A = tpu.sem_alloc : memref<!tpu.dma_semaphore, #tpu.memory_space<semaphore_mem>>
        %dma_start3A = arith.constant 0 : i32
        %dma_start3A_76 = tpu.memref_slice %arg10[%dma_start3A] : memref<2560xi32, #tpu.memory_space<vmem>> -> memref<2560xi32, #tpu.memory_space<vmem>>
        %dma_start3A_77 = tpu.memref_slice %arg5[%mul3A_73] : memref<80000xi32, #tpu.memory_space<hbm>> -> memref<2560xi32, #tpu.memory_space<hbm>>
        %dma_start3A_78 = tpu.memref_slice %arg5[%mul3A_73] : memref<80000xi32, #tpu.memory_space<hbm>> -> memref<2560xi32, #tpu.memory_space<hbm>>
        %dma_start3A_79 = arith.constant 0 : i32
        %dma_start3A_80 = tpu.memref_slice %arg10[%dma_start3A_79] : memref<2560xi32, #tpu.memory_space<vmem>> -> memref<2560xi32, #tpu.memory_space<vmem>>
        tpu.enqueue_dma source(%dma_start3A_80 : memref<2560xi32, #tpu.memory_space<vmem>>) target(%dma_start3A_78 : memref<2560xi32, #tpu.memory_space<hbm>>) target_semaphore(%run_scoped3A : memref<!tpu.dma_semaphore, #tpu.memory_space<semaphore_mem>>)
        %dma_wait3A = arith.constant 0 : i32
        %dma_wait3A_81 = tpu.memref_slice %arg10[%dma_wait3A] : memref<2560xi32, #tpu.memory_space<vmem>> -> memref<2560xi32, #tpu.memory_space<vmem>>
        %dma_wait3A_82 = tpu.memref_slice %arg5[%mul3A_73] : memref<80000xi32, #tpu.memory_space<hbm>> -> memref<2560xi32, #tpu.memory_space<hbm>>
        %dma_wait3A_83 = tpu.memref_slice %arg5[%mul3A_73] : memref<80000xi32, #tpu.memory_space<hbm>> -> memref<2560xi32, #tpu.memory_space<hbm>>
        %dma_wait3A_84 = arith.constant 0 : i32
        %dma_wait3A_85 = tpu.memref_slice %arg10[%dma_wait3A_84] : memref<2560xi32, #tpu.memory_space<vmem>> -> memref<2560xi32, #tpu.memory_space<vmem>>
        tpu.wait_dma2 semaphore(%run_scoped3A : memref<!tpu.dma_semaphore, #tpu.memory_space<semaphore_mem>>) src(%dma_wait3A_85 : memref<2560xi32, #tpu.memory_space<vmem>>) dst(%dma_wait3A_83 : memref<2560xi32, #tpu.memory_space<hbm>>)
        tpu.yield
      }) : () -> ()
      %mul3A_74 = arith.constant 8 : i32
      %mul3A_75 = arith.muli %add3A_7, %mul3A_74 : i32
      "tpu.region"() ({
        %run_scoped3A = tpu.sem_alloc : memref<!tpu.dma_semaphore, #tpu.memory_space<semaphore_mem>>
        %dma_start3A = arith.constant 0 : i32
        %dma_start3A_76 = tpu.memref_slice %arg11[%dma_start3A] : memref<2560xi32, #tpu.memory_space<vmem>> -> memref<2560xi32, #tpu.memory_space<vmem>>
        %dma_start3A_77 = tpu.memref_slice %arg6[%mul3A_75] : memref<80000xi32, #tpu.memory_space<hbm>> -> memref<2560xi32, #tpu.memory_space<hbm>>
        %dma_start3A_78 = tpu.memref_slice %arg6[%mul3A_75] : memref<80000xi32, #tpu.memory_space<hbm>> -> memref<2560xi32, #tpu.memory_space<hbm>>
        %dma_start3A_79 = arith.constant 0 : i32
        %dma_start3A_80 = tpu.memref_slice %arg11[%dma_start3A_79] : memref<2560xi32, #tpu.memory_space<vmem>> -> memref<2560xi32, #tpu.memory_space<vmem>>
        tpu.enqueue_dma source(%dma_start3A_80 : memref<2560xi32, #tpu.memory_space<vmem>>) target(%dma_start3A_78 : memref<2560xi32, #tpu.memory_space<hbm>>) target_semaphore(%run_scoped3A : memref<!tpu.dma_semaphore, #tpu.memory_space<semaphore_mem>>)
        %dma_wait3A = arith.constant 0 : i32
        %dma_wait3A_81 = tpu.memref_slice %arg11[%dma_wait3A] : memref<2560xi32, #tpu.memory_space<vmem>> -> memref<2560xi32, #tpu.memory_space<vmem>>
        %dma_wait3A_82 = tpu.memref_slice %arg6[%mul3A_75] : memref<80000xi32, #tpu.memory_space<hbm>> -> memref<2560xi32, #tpu.memory_space<hbm>>
        %dma_wait3A_83 = tpu.memref_slice %arg6[%mul3A_75] : memref<80000xi32, #tpu.memory_space<hbm>> -> memref<2560xi32, #tpu.memory_space<hbm>>
        %dma_wait3A_84 = arith.constant 0 : i32
        %dma_wait3A_85 = tpu.memref_slice %arg11[%dma_wait3A_84] : memref<2560xi32, #tpu.memory_space<vmem>> -> memref<2560xi32, #tpu.memory_space<vmem>>
        tpu.wait_dma2 semaphore(%run_scoped3A : memref<!tpu.dma_semaphore, #tpu.memory_space<semaphore_mem>>) src(%dma_wait3A_85 : memref<2560xi32, #tpu.memory_space<vmem>>) dst(%dma_wait3A_83 : memref<2560xi32, #tpu.memory_space<hbm>>)
        tpu.yield
      }) : () -> ()
    } else {
    }
    %not3A_64 = arith.constant true
    %not3A_65 = arith.xori %lt3A_1, %not3A_64 : i1
    %convert_element_type3A_66 = arith.extui %not3A_65 : i1 to i32
    %cond3A_67 = arith.constant 0 : i32
    %cond3A_68 = arith.cmpi ne, %convert_element_type3A_66, %cond3A_67 : i32
    scf.if %cond3A_68 {
      %mul3A_69 = arith.constant 8 : i32
      %mul3A_70 = arith.muli %add3A_7, %mul3A_69 : i32
      "tpu.region"() ({
        %run_scoped3A = tpu.sem_alloc : memref<!tpu.dma_semaphore, #tpu.memory_space<semaphore_mem>>
        %dma_start3A = arith.constant 0 : i32
        %dma_start3A_73 = tpu.memref_slice %arg10[%dma_start3A] : memref<2560xi32, #tpu.memory_space<vmem>> -> memref<2432xi32, #tpu.memory_space<vmem>>
        %dma_start3A_74 = tpu.memref_slice %arg5[%mul3A_70] : memref<80000xi32, #tpu.memory_space<hbm>> -> memref<2432xi32, #tpu.memory_space<hbm>>
        %dma_start3A_75 = tpu.memref_slice %arg5[%mul3A_70] : memref<80000xi32, #tpu.memory_space<hbm>> -> memref<2432xi32, #tpu.memory_space<hbm>>
        %dma_start3A_76 = arith.constant 0 : i32
        %dma_start3A_77 = tpu.memref_slice %arg10[%dma_start3A_76] : memref<2560xi32, #tpu.memory_space<vmem>> -> memref<2432xi32, #tpu.memory_space<vmem>>
        tpu.enqueue_dma source(%dma_start3A_77 : memref<2432xi32, #tpu.memory_space<vmem>>) target(%dma_start3A_75 : memref<2432xi32, #tpu.memory_space<hbm>>) target_semaphore(%run_scoped3A : memref<!tpu.dma_semaphore, #tpu.memory_space<semaphore_mem>>)
        %dma_wait3A = arith.constant 0 : i32
        %dma_wait3A_78 = tpu.memref_slice %arg10[%dma_wait3A] : memref<2560xi32, #tpu.memory_space<vmem>> -> memref<2432xi32, #tpu.memory_space<vmem>>
        %dma_wait3A_79 = tpu.memref_slice %arg5[%mul3A_70] : memref<80000xi32, #tpu.memory_space<hbm>> -> memref<2432xi32, #tpu.memory_space<hbm>>
        %dma_wait3A_80 = tpu.memref_slice %arg5[%mul3A_70] : memref<80000xi32, #tpu.memory_space<hbm>> -> memref<2432xi32, #tpu.memory_space<hbm>>
        %dma_wait3A_81 = arith.constant 0 : i32
        %dma_wait3A_82 = tpu.memref_slice %arg10[%dma_wait3A_81] : memref<2560xi32, #tpu.memory_space<vmem>> -> memref<2432xi32, #tpu.memory_space<vmem>>
        tpu.wait_dma2 semaphore(%run_scoped3A : memref<!tpu.dma_semaphore, #tpu.memory_space<semaphore_mem>>) src(%dma_wait3A_82 : memref<2432xi32, #tpu.memory_space<vmem>>) dst(%dma_wait3A_80 : memref<2432xi32, #tpu.memory_space<hbm>>)
        tpu.yield
      }) : () -> ()
      %mul3A_71 = arith.constant 8 : i32
      %mul3A_72 = arith.muli %add3A_7, %mul3A_71 : i32
      "tpu.region"() ({
        %run_scoped3A = tpu.sem_alloc : memref<!tpu.dma_semaphore, #tpu.memory_space<semaphore_mem>>
        %dma_start3A = arith.constant 0 : i32
        %dma_start3A_73 = tpu.memref_slice %arg11[%dma_start3A] : memref<2560xi32, #tpu.memory_space<vmem>> -> memref<2432xi32, #tpu.memory_space<vmem>>
        %dma_start3A_74 = tpu.memref_slice %arg6[%mul3A_72] : memref<80000xi32, #tpu.memory_space<hbm>> -> memref<2432xi32, #tpu.memory_space<hbm>>
        %dma_start3A_75 = tpu.memref_slice %arg6[%mul3A_72] : memref<80000xi32, #tpu.memory_space<hbm>> -> memref<2432xi32, #tpu.memory_space<hbm>>
        %dma_start3A_76 = arith.constant 0 : i32
        %dma_start3A_77 = tpu.memref_slice %arg11[%dma_start3A_76] : memref<2560xi32, #tpu.memory_space<vmem>> -> memref<2432xi32, #tpu.memory_space<vmem>>
        tpu.enqueue_dma source(%dma_start3A_77 : memref<2432xi32, #tpu.memory_space<vmem>>) target(%dma_start3A_75 : memref<2432xi32, #tpu.memory_space<hbm>>) target_semaphore(%run_scoped3A : memref<!tpu.dma_semaphore, #tpu.memory_space<semaphore_mem>>)
        %dma_wait3A = arith.constant 0 : i32
        %dma_wait3A_78 = tpu.memref_slice %arg11[%dma_wait3A] : memref<2560xi32, #tpu.memory_space<vmem>> -> memref<2432xi32, #tpu.memory_space<vmem>>
        %dma_wait3A_79 = tpu.memref_slice %arg6[%mul3A_72] : memref<80000xi32, #tpu.memory_space<hbm>> -> memref<2432xi32, #tpu.memory_space<hbm>>
        %dma_wait3A_80 = tpu.memref_slice %arg6[%mul3A_72] : memref<80000xi32, #tpu.memory_space<hbm>> -> memref<2432xi32, #tpu.memory_space<hbm>>
        %dma_wait3A_81 = arith.constant 0 : i32
        %dma_wait3A_82 = tpu.memref_slice %arg11[%dma_wait3A_81] : memref<2560xi32, #tpu.memory_space<vmem>> -> memref<2432xi32, #tpu.memory_space<vmem>>
        tpu.wait_dma2 semaphore(%run_scoped3A : memref<!tpu.dma_semaphore, #tpu.memory_space<semaphore_mem>>) src(%dma_wait3A_82 : memref<2432xi32, #tpu.memory_space<vmem>>) dst(%dma_wait3A_80 : memref<2432xi32, #tpu.memory_space<hbm>>)
        tpu.yield
      }) : () -> ()
    } else {
    }
    return
  }
}

module attributes {stable_mosaic.version = 14 : i64} {
  func.func @_col_body(%arg0: memref<2x320000xi32, #tpu.memory_space<vmem>>, %arg1: memref<320000xi32, #tpu.memory_space<vmem>>) attributes {dimension_semantics = [], scalar_prefetch = 0 : i64, scratch_operands = 0 : i64, tpu.core_type = #tpu.core_type<tc>} {
    %get3A = arith.constant 1 : index
    %get3A_0 = arith.constant 0 : index
    %get3A_1 = vector.load %arg0[%get3A, %get3A_0] : memref<2x320000xi32, #tpu.memory_space<vmem>>, vector<1x320000xi32>
    %get3A_2 = vector.shape_cast %get3A_1 : vector<1x320000xi32> to vector<320000xi32>
    %swap3A = arith.constant 0 : index
    %swap3A_3 = vector.load %arg1[%swap3A] : memref<320000xi32, #tpu.memory_space<vmem>>, vector<320000xi32>
    tpu.vector_store %arg1[%swap3A], %get3A_2 {strides = array<i32>} : memref<320000xi32, #tpu.memory_space<vmem>>, vector<320000xi32>,
    return
  }
}

module attributes {stable_mosaic.version = 14 : i64} {
  func.func @_pack_body(%arg0: memref<80000xi32, #tpu.memory_space<vmem>>, %arg1: memref<80000xi32, #tpu.memory_space<vmem>>, %arg2: memref<2x80000xi32, #tpu.memory_space<vmem>>) attributes {dimension_semantics = [], scalar_prefetch = 0 : i64, scratch_operands = 0 : i64, tpu.core_type = #tpu.core_type<tc>} {
    %get3A = arith.constant 0 : index
    %get3A_0 = vector.load %arg0[%get3A] : memref<80000xi32, #tpu.memory_space<vmem>>, vector<80000xi32>
    %swap3A = arith.constant 0 : index
    %swap3A_1 = arith.constant 0 : index
    %swap3A_2 = vector.load %arg2[%swap3A, %swap3A_1] : memref<2x80000xi32, #tpu.memory_space<vmem>>, vector<1x80000xi32>
    %swap3A_3 = vector.shape_cast %swap3A_2 : vector<1x80000xi32> to vector<80000xi32>
    %swap3A_4 = vector.shape_cast %get3A_0 : vector<80000xi32> to vector<1x80000xi32>
    tpu.vector_store %arg2[%swap3A, %swap3A_1], %swap3A_4 {strides = array<i32>} : memref<2x80000xi32, #tpu.memory_space<vmem>>, vector<1x80000xi32>,
    %get3A_5 = arith.constant 0 : index
    %get3A_6 = vector.load %arg1[%get3A_5] : memref<80000xi32, #tpu.memory_space<vmem>>, vector<80000xi32>
    %swap3A_7 = arith.constant 1 : index
    %swap3A_8 = arith.constant 0 : index
    %swap3A_9 = vector.load %arg2[%swap3A_7, %swap3A_8] : memref<2x80000xi32, #tpu.memory_space<vmem>>, vector<1x80000xi32>
    %swap3A_10 = vector.shape_cast %swap3A_9 : vector<1x80000xi32> to vector<80000xi32>
    %swap3A_11 = vector.shape_cast %get3A_6 : vector<80000xi32> to vector<1x80000xi32>
    tpu.vector_store %arg2[%swap3A_7, %swap3A_8], %swap3A_11 {strides = array<i32>} : memref<2x80000xi32, #tpu.memory_space<vmem>>, vector<1x80000xi32>,
    return
  }
}

module attributes {stable_mosaic.version = 14 : i64} {
  func.func @_tc_body(%arg0: i32, %arg1: memref<1024x128xf32, #tpu.memory_space<vmem>>, %arg2: memref<1024xf32, #tpu.memory_space<vmem>>, %arg3: memref<256x128xf32, #tpu.memory_space<vmem>>) attributes {dimension_semantics = [#tpu.dimension_semantics<arbitrary>], iteration_bounds = array<i64: 10>, scalar_prefetch = 0 : i64, scratch_operands = 0 : i64, tpu.core_type = #tpu.core_type<tc>, window_params = [{transform_indices = @transform_0, window_bounds = array<i64: 1024, 128>}, {transform_indices = @transform_1, window_bounds = array<i64: 1024>}, {transform_indices = @transform_2, window_bounds = array<i64: 256, 128>}]} {
    %iota3A = tpu.iota {dimensions = array<i32: 0>} : vector<256x128xi32>
    %iota3A_0 = tpu.iota {dimensions = array<i32: 1>} : vector<256x128xi32>
    %mul3A = arith.constant 256 : i32
    %mul3A_1 = arith.muli %arg0, %mul3A : i32
    %add3A = vector.broadcast %mul3A_1 : i32 to vector<256x128xi32>
    %add3A_2 = arith.addi %add3A, %iota3A : vector<256x128xi32>
    %mul3A_3 = arith.constant 128 : i32
    %mul3A_4 = vector.broadcast %mul3A_3 : i32 to vector<256x128xi32>
    %mul3A_5 = arith.muli %add3A_2, %mul3A_4 : vector<256x128xi32>
    %add3A_6 = arith.addi %mul3A_5, %iota3A_0 : vector<256x128xi32>
    %broadcast_in_dim3A = arith.constant 0 : i32
    %broadcast_in_dim3A_7 = vector.broadcast %broadcast_in_dim3A : i32 to vector<256x128xi32>
    %add3A_8 = arith.constant 0 : i32
    %add3A_9 = vector.broadcast %add3A_8 : i32 to vector<256x128xi32>
    %add3A_10 = arith.addi %broadcast_in_dim3A_7, %add3A_9 : vector<256x128xi32>
    %add3A_11 = arith.constant 42 : i32
    %add3A_12 = vector.broadcast %add3A_11 : i32 to vector<256x128xi32>
    %add3A_13 = arith.addi %add3A_6, %add3A_12 : vector<256x128xi32>
    %add3A_14 = arith.addi %add3A_10, %add3A_13 : vector<256x128xi32>
    %shift_left3A = arith.constant 13 : i32
    %shift_left3A_15 = vector.broadcast %shift_left3A : i32 to vector<256x128xi32>
    %shift_left3A_16 = arith.shli %add3A_13, %shift_left3A_15 : vector<256x128xi32>
    %broadcast_in_dim3A_17 = arith.constant 19 : i32
    %broadcast_in_dim3A_18 = vector.broadcast %broadcast_in_dim3A_17 : i32 to vector<256x128xi32>
    %shift_right_logical3A = arith.shrui %add3A_13, %broadcast_in_dim3A_18 : vector<256x128xi32>
    %or3A = arith.ori %shift_left3A_16, %shift_right_logical3A : vector<256x128xi32>
    %xor3A = arith.xori %or3A, %add3A_14 : vector<256x128xi32>
    %add3A_19 = arith.addi %add3A_14, %xor3A : vector<256x128xi32>
    %shift_left3A_20 = arith.constant 15 : i32
    %shift_left3A_21 = vector.broadcast %shift_left3A_20 : i32 to vector<256x128xi32>
    %shift_left3A_22 = arith.shli %xor3A, %shift_left3A_21 : vector<256x128xi32>
    %broadcast_in_dim3A_23 = arith.constant 17 : i32
    %broadcast_in_dim3A_24 = vector.broadcast %broadcast_in_dim3A_23 : i32 to vector<256x128xi32>
    %shift_right_logical3A_25 = arith.shrui %xor3A, %broadcast_in_dim3A_24 : vector<256x128xi32>
    %or3A_26 = arith.ori %shift_left3A_22, %shift_right_logical3A_25 : vector<256x128xi32>
    %xor3A_27 = arith.xori %or3A_26, %add3A_19 : vector<256x128xi32>
    %add3A_28 = arith.addi %add3A_19, %xor3A_27 : vector<256x128xi32>
    %shift_left3A_29 = arith.constant 26 : i32
    %shift_left3A_30 = vector.broadcast %shift_left3A_29 : i32 to vector<256x128xi32>
    %shift_left3A_31 = arith.shli %xor3A_27, %shift_left3A_30 : vector<256x128xi32>
    %broadcast_in_dim3A_32 = arith.constant 6 : i32
    %broadcast_in_dim3A_33 = vector.broadcast %broadcast_in_dim3A_32 : i32 to vector<256x128xi32>
    %shift_right_logical3A_34 = arith.shrui %xor3A_27, %broadcast_in_dim3A_33 : vector<256x128xi32>
    %or3A_35 = arith.ori %shift_left3A_31, %shift_right_logical3A_34 : vector<256x128xi32>
    %xor3A_36 = arith.xori %or3A_35, %add3A_28 : vector<256x128xi32>
    %add3A_37 = arith.addi %add3A_28, %xor3A_36 : vector<256x128xi32>
    %shift_left3A_38 = arith.constant 6 : i32
    %shift_left3A_39 = vector.broadcast %shift_left3A_38 : i32 to vector<256x128xi32>
    %shift_left3A_40 = arith.shli %xor3A_36, %shift_left3A_39 : vector<256x128xi32>
    %broadcast_in_dim3A_41 = arith.constant 26 : i32
    %broadcast_in_dim3A_42 = vector.broadcast %broadcast_in_dim3A_41 : i32 to vector<256x128xi32>
    %shift_right_logical3A_43 = arith.shrui %xor3A_36, %broadcast_in_dim3A_42 : vector<256x128xi32>
    %or3A_44 = arith.ori %shift_left3A_40, %shift_right_logical3A_43 : vector<256x128xi32>
    %xor3A_45 = arith.xori %or3A_44, %add3A_37 : vector<256x128xi32>
    %add3A_46 = arith.constant 42 : i32
    %add3A_47 = vector.broadcast %add3A_46 : i32 to vector<256x128xi32>
    %add3A_48 = arith.addi %add3A_37, %add3A_47 : vector<256x128xi32>
    %add3A_49 = arith.constant 466689008 : i32
    %add3A_50 = vector.broadcast %add3A_49 : i32 to vector<256x128xi32>
    %add3A_51 = arith.addi %xor3A_45, %add3A_50 : vector<256x128xi32>
    %add3A_52 = arith.constant 1 : i32
    %add3A_53 = vector.broadcast %add3A_52 : i32 to vector<256x128xi32>
    %add3A_54 = arith.addi %add3A_51, %add3A_53 : vector<256x128xi32>
    %add3A_55 = arith.addi %add3A_48, %add3A_54 : vector<256x128xi32>
    %shift_left3A_56 = arith.constant 17 : i32
    %shift_left3A_57 = vector.broadcast %shift_left3A_56 : i32 to vector<256x128xi32>
    %shift_left3A_58 = arith.shli %add3A_54, %shift_left3A_57 : vector<256x128xi32>
    %broadcast_in_dim3A_59 = arith.constant 15 : i32
    %broadcast_in_dim3A_60 = vector.broadcast %broadcast_in_dim3A_59 : i32 to vector<256x128xi32>
    %shift_right_logical3A_61 = arith.shrui %add3A_54, %broadcast_in_dim3A_60 : vector<256x128xi32>
    %or3A_62 = arith.ori %shift_left3A_58, %shift_right_logical3A_61 : vector<256x128xi32>
    %xor3A_63 = arith.xori %or3A_62, %add3A_55 : vector<256x128xi32>
    %add3A_64 = arith.addi %add3A_55, %xor3A_63 : vector<256x128xi32>
    %shift_left3A_65 = arith.constant 29 : i32
    %shift_left3A_66 = vector.broadcast %shift_left3A_65 : i32 to vector<256x128xi32>
    %shift_left3A_67 = arith.shli %xor3A_63, %shift_left3A_66 : vector<256x128xi32>
    %broadcast_in_dim3A_68 = arith.constant 3 : i32
    %broadcast_in_dim3A_69 = vector.broadcast %broadcast_in_dim3A_68 : i32 to vector<256x128xi32>
    %shift_right_logical3A_70 = arith.shrui %xor3A_63, %broadcast_in_dim3A_69 : vector<256x128xi32>
    %or3A_71 = arith.ori %shift_left3A_67, %shift_right_logical3A_70 : vector<256x128xi32>
    %xor3A_72 = arith.xori %or3A_71, %add3A_64 : vector<256x128xi32>
    %add3A_73 = arith.addi %add3A_64, %xor3A_72 : vector<256x128xi32>
    %shift_left3A_74 = arith.constant 16 : i32
    %shift_left3A_75 = vector.broadcast %shift_left3A_74 : i32 to vector<256x128xi32>
    %shift_left3A_76 = arith.shli %xor3A_72, %shift_left3A_75 : vector<256x128xi32>
    %broadcast_in_dim3A_77 = arith.constant 16 : i32
    %broadcast_in_dim3A_78 = vector.broadcast %broadcast_in_dim3A_77 : i32 to vector<256x128xi32>
    %shift_right_logical3A_79 = arith.shrui %xor3A_72, %broadcast_in_dim3A_78 : vector<256x128xi32>
    %or3A_80 = arith.ori %shift_left3A_76, %shift_right_logical3A_79 : vector<256x128xi32>
    %xor3A_81 = arith.xori %or3A_80, %add3A_73 : vector<256x128xi32>
    %add3A_82 = arith.addi %add3A_73, %xor3A_81 : vector<256x128xi32>
    %shift_left3A_83 = arith.constant 24 : i32
    %shift_left3A_84 = vector.broadcast %shift_left3A_83 : i32 to vector<256x128xi32>
    %shift_left3A_85 = arith.shli %xor3A_81, %shift_left3A_84 : vector<256x128xi32>
    %broadcast_in_dim3A_86 = arith.constant 8 : i32
    %broadcast_in_dim3A_87 = vector.broadcast %broadcast_in_dim3A_86 : i32 to vector<256x128xi32>
    %shift_right_logical3A_88 = arith.shrui %xor3A_81, %broadcast_in_dim3A_87 : vector<256x128xi32>
    %or3A_89 = arith.ori %shift_left3A_85, %shift_right_logical3A_88 : vector<256x128xi32>
    %xor3A_90 = arith.xori %or3A_89, %add3A_82 : vector<256x128xi32>
    %add3A_91 = arith.constant 466689008 : i32
    %add3A_92 = vector.broadcast %add3A_91 : i32 to vector<256x128xi32>
    %add3A_93 = arith.addi %add3A_82, %add3A_92 : vector<256x128xi32>
    %add3A_94 = arith.constant 0 : i32
    %add3A_95 = vector.broadcast %add3A_94 : i32 to vector<256x128xi32>
    %add3A_96 = arith.addi %xor3A_90, %add3A_95 : vector<256x128xi32>
    %add3A_97 = arith.constant 2 : i32
    %add3A_98 = vector.broadcast %add3A_97 : i32 to vector<256x128xi32>
    %add3A_99 = arith.addi %add3A_96, %add3A_98 : vector<256x128xi32>
    %add3A_100 = arith.addi %add3A_93, %add3A_99 : vector<256x128xi32>
    %shift_left3A_101 = arith.constant 13 : i32
    %shift_left3A_102 = vector.broadcast %shift_left3A_101 : i32 to vector<256x128xi32>
    %shift_left3A_103 = arith.shli %add3A_99, %shift_left3A_102 : vector<256x128xi32>
    %broadcast_in_dim3A_104 = arith.constant 19 : i32
    %broadcast_in_dim3A_105 = vector.broadcast %broadcast_in_dim3A_104 : i32 to vector<256x128xi32>
    %shift_right_logical3A_106 = arith.shrui %add3A_99, %broadcast_in_dim3A_105 : vector<256x128xi32>
    %or3A_107 = arith.ori %shift_left3A_103, %shift_right_logical3A_106 : vector<256x128xi32>
    %xor3A_108 = arith.xori %or3A_107, %add3A_100 : vector<256x128xi32>
    %add3A_109 = arith.addi %add3A_100, %xor3A_108 : vector<256x128xi32>
    %shift_left3A_110 = arith.constant 15 : i32
    %shift_left3A_111 = vector.broadcast %shift_left3A_110 : i32 to vector<256x128xi32>
    %shift_left3A_112 = arith.shli %xor3A_108, %shift_left3A_111 : vector<256x128xi32>
    %broadcast_in_dim3A_113 = arith.constant 17 : i32
    %broadcast_in_dim3A_114 = vector.broadcast %broadcast_in_dim3A_113 : i32 to vector<256x128xi32>
    %shift_right_logical3A_115 = arith.shrui %xor3A_108, %broadcast_in_dim3A_114 : vector<256x128xi32>
    %or3A_116 = arith.ori %shift_left3A_112, %shift_right_logical3A_115 : vector<256x128xi32>
    %xor3A_117 = arith.xori %or3A_116, %add3A_109 : vector<256x128xi32>
    %add3A_118 = arith.addi %add3A_109, %xor3A_117 : vector<256x128xi32>
    %shift_left3A_119 = arith.constant 26 : i32
    %shift_left3A_120 = vector.broadcast %shift_left3A_119 : i32 to vector<256x128xi32>
    %shift_left3A_121 = arith.shli %xor3A_117, %shift_left3A_120 : vector<256x128xi32>
    %broadcast_in_dim3A_122 = arith.constant 6 : i32
    %broadcast_in_dim3A_123 = vector.broadcast %broadcast_in_dim3A_122 : i32 to vector<256x128xi32>
    %shift_right_logical3A_124 = arith.shrui %xor3A_117, %broadcast_in_dim3A_123 : vector<256x128xi32>
    %or3A_125 = arith.ori %shift_left3A_121, %shift_right_logical3A_124 : vector<256x128xi32>
    %xor3A_126 = arith.xori %or3A_125, %add3A_118 : vector<256x128xi32>
    %add3A_127 = arith.addi %add3A_118, %xor3A_126 : vector<256x128xi32>
    %shift_left3A_128 = arith.constant 6 : i32
    %shift_left3A_129 = vector.broadcast %shift_left3A_128 : i32 to vector<256x128xi32>
    %shift_left3A_130 = arith.shli %xor3A_126, %shift_left3A_129 : vector<256x128xi32>
    %broadcast_in_dim3A_131 = arith.constant 26 : i32
    %broadcast_in_dim3A_132 = vector.broadcast %broadcast_in_dim3A_131 : i32 to vector<256x128xi32>
    %shift_right_logical3A_133 = arith.shrui %xor3A_126, %broadcast_in_dim3A_132 : vector<256x128xi32>
    %or3A_134 = arith.ori %shift_left3A_130, %shift_right_logical3A_133 : vector<256x128xi32>
    %xor3A_135 = arith.xori %or3A_134, %add3A_127 : vector<256x128xi32>
    %add3A_136 = arith.constant 0 : i32
    %add3A_137 = vector.broadcast %add3A_136 : i32 to vector<256x128xi32>
    %add3A_138 = arith.addi %add3A_127, %add3A_137 : vector<256x128xi32>
    %add3A_139 = arith.constant 42 : i32
    %add3A_140 = vector.broadcast %add3A_139 : i32 to vector<256x128xi32>
    %add3A_141 = arith.addi %xor3A_135, %add3A_140 : vector<256x128xi32>
    %add3A_142 = arith.constant 3 : i32
    %add3A_143 = vector.broadcast %add3A_142 : i32 to vector<256x128xi32>
    %add3A_144 = arith.addi %add3A_141, %add3A_143 : vector<256x128xi32>
    %add3A_145 = arith.addi %add3A_138, %add3A_144 : vector<256x128xi32>
    %shift_left3A_146 = arith.constant 17 : i32
    %shift_left3A_147 = vector.broadcast %shift_left3A_146 : i32 to vector<256x128xi32>
    %shift_left3A_148 = arith.shli %add3A_144, %shift_left3A_147 : vector<256x128xi32>
    %broadcast_in_dim3A_149 = arith.constant 15 : i32
    %broadcast_in_dim3A_150 = vector.broadcast %broadcast_in_dim3A_149 : i32 to vector<256x128xi32>
    %shift_right_logical3A_151 = arith.shrui %add3A_144, %broadcast_in_dim3A_150 : vector<256x128xi32>
    %or3A_152 = arith.ori %shift_left3A_148, %shift_right_logical3A_151 : vector<256x128xi32>
    %xor3A_153 = arith.xori %or3A_152, %add3A_145 : vector<256x128xi32>
    %add3A_154 = arith.addi %add3A_145, %xor3A_153 : vector<256x128xi32>
    %shift_left3A_155 = arith.constant 29 : i32
    %shift_left3A_156 = vector.broadcast %shift_left3A_155 : i32 to vector<256x128xi32>
    %shift_left3A_157 = arith.shli %xor3A_153, %shift_left3A_156 : vector<256x128xi32>
    %broadcast_in_dim3A_158 = arith.constant 3 : i32
    %broadcast_in_dim3A_159 = vector.broadcast %broadcast_in_dim3A_158 : i32 to vector<256x128xi32>
    %shift_right_logical3A_160 = arith.shrui %xor3A_153, %broadcast_in_dim3A_159 : vector<256x128xi32>
    %or3A_161 = arith.ori %shift_left3A_157, %shift_right_logical3A_160 : vector<256x128xi32>
    %xor3A_162 = arith.xori %or3A_161, %add3A_154 : vector<256x128xi32>
    %add3A_163 = arith.addi %add3A_154, %xor3A_162 : vector<256x128xi32>
    %shift_left3A_164 = arith.constant 16 : i32
    %shift_left3A_165 = vector.broadcast %shift_left3A_164 : i32 to vector<256x128xi32>
    %shift_left3A_166 = arith.shli %xor3A_162, %shift_left3A_165 : vector<256x128xi32>
    %broadcast_in_dim3A_167 = arith.constant 16 : i32
    %broadcast_in_dim3A_168 = vector.broadcast %broadcast_in_dim3A_167 : i32 to vector<256x128xi32>
    %shift_right_logical3A_169 = arith.shrui %xor3A_162, %broadcast_in_dim3A_168 : vector<256x128xi32>
    %or3A_170 = arith.ori %shift_left3A_166, %shift_right_logical3A_169 : vector<256x128xi32>
    %xor3A_171 = arith.xori %or3A_170, %add3A_163 : vector<256x128xi32>
    %add3A_172 = arith.addi %add3A_163, %xor3A_171 : vector<256x128xi32>
    %shift_left3A_173 = arith.constant 24 : i32
    %shift_left3A_174 = vector.broadcast %shift_left3A_173 : i32 to vector<256x128xi32>
    %shift_left3A_175 = arith.shli %xor3A_171, %shift_left3A_174 : vector<256x128xi32>
    %broadcast_in_dim3A_176 = arith.constant 8 : i32
    %broadcast_in_dim3A_177 = vector.broadcast %broadcast_in_dim3A_176 : i32 to vector<256x128xi32>
    %shift_right_logical3A_178 = arith.shrui %xor3A_171, %broadcast_in_dim3A_177 : vector<256x128xi32>
    %or3A_179 = arith.ori %shift_left3A_175, %shift_right_logical3A_178 : vector<256x128xi32>
    %xor3A_180 = arith.xori %or3A_179, %add3A_172 : vector<256x128xi32>
    %add3A_181 = arith.constant 42 : i32
    %add3A_182 = vector.broadcast %add3A_181 : i32 to vector<256x128xi32>
    %add3A_183 = arith.addi %add3A_172, %add3A_182 : vector<256x128xi32>
    %add3A_184 = arith.constant 466689008 : i32
    %add3A_185 = vector.broadcast %add3A_184 : i32 to vector<256x128xi32>
    %add3A_186 = arith.addi %xor3A_180, %add3A_185 : vector<256x128xi32>
    %add3A_187 = arith.constant 4 : i32
    %add3A_188 = vector.broadcast %add3A_187 : i32 to vector<256x128xi32>
    %add3A_189 = arith.addi %add3A_186, %add3A_188 : vector<256x128xi32>
    %add3A_190 = arith.addi %add3A_183, %add3A_189 : vector<256x128xi32>
    %shift_left3A_191 = arith.constant 13 : i32
    %shift_left3A_192 = vector.broadcast %shift_left3A_191 : i32 to vector<256x128xi32>
    %shift_left3A_193 = arith.shli %add3A_189, %shift_left3A_192 : vector<256x128xi32>
    %broadcast_in_dim3A_194 = arith.constant 19 : i32
    %broadcast_in_dim3A_195 = vector.broadcast %broadcast_in_dim3A_194 : i32 to vector<256x128xi32>
    %shift_right_logical3A_196 = arith.shrui %add3A_189, %broadcast_in_dim3A_195 : vector<256x128xi32>
    %or3A_197 = arith.ori %shift_left3A_193, %shift_right_logical3A_196 : vector<256x128xi32>
    %xor3A_198 = arith.xori %or3A_197, %add3A_190 : vector<256x128xi32>
    %add3A_199 = arith.addi %add3A_190, %xor3A_198 : vector<256x128xi32>
    %shift_left3A_200 = arith.constant 15 : i32
    %shift_left3A_201 = vector.broadcast %shift_left3A_200 : i32 to vector<256x128xi32>
    %shift_left3A_202 = arith.shli %xor3A_198, %shift_left3A_201 : vector<256x128xi32>
    %broadcast_in_dim3A_203 = arith.constant 17 : i32
    %broadcast_in_dim3A_204 = vector.broadcast %broadcast_in_dim3A_203 : i32 to vector<256x128xi32>
    %shift_right_logical3A_205 = arith.shrui %xor3A_198, %broadcast_in_dim3A_204 : vector<256x128xi32>
    %or3A_206 = arith.ori %shift_left3A_202, %shift_right_logical3A_205 : vector<256x128xi32>
    %xor3A_207 = arith.xori %or3A_206, %add3A_199 : vector<256x128xi32>
    %add3A_208 = arith.addi %add3A_199, %xor3A_207 : vector<256x128xi32>
    %shift_left3A_209 = arith.constant 26 : i32
    %shift_left3A_210 = vector.broadcast %shift_left3A_209 : i32 to vector<256x128xi32>
    %shift_left3A_211 = arith.shli %xor3A_207, %shift_left3A_210 : vector<256x128xi32>
    %broadcast_in_dim3A_212 = arith.constant 6 : i32
    %broadcast_in_dim3A_213 = vector.broadcast %broadcast_in_dim3A_212 : i32 to vector<256x128xi32>
    %shift_right_logical3A_214 = arith.shrui %xor3A_207, %broadcast_in_dim3A_213 : vector<256x128xi32>
    %or3A_215 = arith.ori %shift_left3A_211, %shift_right_logical3A_214 : vector<256x128xi32>
    %xor3A_216 = arith.xori %or3A_215, %add3A_208 : vector<256x128xi32>
    %add3A_217 = arith.addi %add3A_208, %xor3A_216 : vector<256x128xi32>
    %shift_left3A_218 = arith.constant 6 : i32
    %shift_left3A_219 = vector.broadcast %shift_left3A_218 : i32 to vector<256x128xi32>
    %shift_left3A_220 = arith.shli %xor3A_216, %shift_left3A_219 : vector<256x128xi32>
    %broadcast_in_dim3A_221 = arith.constant 26 : i32
    %broadcast_in_dim3A_222 = vector.broadcast %broadcast_in_dim3A_221 : i32 to vector<256x128xi32>
    %shift_right_logical3A_223 = arith.shrui %xor3A_216, %broadcast_in_dim3A_222 : vector<256x128xi32>
    %or3A_224 = arith.ori %shift_left3A_220, %shift_right_logical3A_223 : vector<256x128xi32>
    %xor3A_225 = arith.xori %or3A_224, %add3A_217 : vector<256x128xi32>
    %add3A_226 = arith.constant 466689008 : i32
    %add3A_227 = vector.broadcast %add3A_226 : i32 to vector<256x128xi32>
    %add3A_228 = arith.addi %add3A_217, %add3A_227 : vector<256x128xi32>
    %add3A_229 = arith.constant 0 : i32
    %add3A_230 = vector.broadcast %add3A_229 : i32 to vector<256x128xi32>
    %add3A_231 = arith.addi %xor3A_225, %add3A_230 : vector<256x128xi32>
    %add3A_232 = arith.constant 5 : i32
    %add3A_233 = vector.broadcast %add3A_232 : i32 to vector<256x128xi32>
    %add3A_234 = arith.addi %add3A_231, %add3A_233 : vector<256x128xi32>
    %xor3A_235 = arith.xori %add3A_228, %add3A_234 : vector<256x128xi32>
    %broadcast_in_dim3A_236 = arith.constant 9 : i32
    %broadcast_in_dim3A_237 = vector.broadcast %broadcast_in_dim3A_236 : i32 to vector<256x128xi32>
    %shift_right_logical3A_238 = arith.shrui %xor3A_235, %broadcast_in_dim3A_237 : vector<256x128xi32>
    %broadcast_in_dim3A_239 = arith.constant 1065353216 : i32
    %broadcast_in_dim3A_240 = vector.broadcast %broadcast_in_dim3A_239 : i32 to vector<256x128xi32>
    %or3A_241 = arith.ori %shift_right_logical3A_238, %broadcast_in_dim3A_240 : vector<256x128xi32>
    %bitcast_convert_type3A = tpu.bitcast %or3A_241 : vector<256x128xi32> -> vector<256x128xf32>
    %sub3A = arith.constant 1.000000e+00 : f32
    %sub3A_242 = vector.broadcast %sub3A : f32 to vector<256x128xf32>
    %sub3A_243 = arith.subf %bitcast_convert_type3A, %sub3A_242 : vector<256x128xf32>
    %sub3A_244 = arith.constant 1.000000e+00 : f32
    %sub3A_245 = arith.constant 9.99999968E-21 : f32
    %sub3A_246 = arith.subf %sub3A_244, %sub3A_245 : f32
    %mul3A_247 = vector.broadcast %sub3A_246 : f32 to vector<256x128xf32>
    %mul3A_248 = arith.mulf %sub3A_243, %mul3A_247 : vector<256x128xf32>
    %add3A_249 = arith.constant 9.99999968E-21 : f32
    %add3A_250 = vector.broadcast %add3A_249 : f32 to vector<256x128xf32>
    %add3A_251 = arith.addf %mul3A_248, %add3A_250 : vector<256x128xf32>
    %max3A = arith.constant 9.99999968E-21 : f32
    %max3A_252 = vector.broadcast %max3A : f32 to vector<256x128xf32>
    %max3A_253 = arith.maximumf %max3A_252, %add3A_251 : vector<256x128xf32>
    %log3A = math.log %max3A_253 : vector<256x128xf32>
    %neg3A = arith.constant 0.000000e+00 : f32
    %neg3A_254 = vector.broadcast %neg3A : f32 to vector<256x128xf32>
    %neg3A_255 = arith.subf %neg3A_254, %log3A : vector<256x128xf32>
    %log3A_256 = math.log %neg3A_255 : vector<256x128xf32>
    %neg3A_257 = arith.constant 0.000000e+00 : f32
    %neg3A_258 = vector.broadcast %neg3A_257 : f32 to vector<256x128xf32>
    %neg3A_259 = arith.subf %neg3A_258, %log3A_256 : vector<256x128xf32>
    %swap3A = arith.constant 0 : index
    %swap3A_260 = arith.constant 0 : index
    %swap3A_261 = vector.load %arg3[%swap3A, %swap3A_260] : memref<256x128xf32, #tpu.memory_space<vmem>>, vector<256x128xf32>
    tpu.vector_store %arg3[%swap3A, %swap3A_260], %neg3A_259 {strides = array<i32>} : memref<256x128xf32, #tpu.memory_space<vmem>>, vector<256x128xf32>,
    %get3A = arith.constant 0 : index
    %get3A_262 = arith.constant 0 : index
    %get3A_263 = vector.load %arg1[%get3A, %get3A_262] : memref<1024x128xf32, #tpu.memory_space<vmem>>, vector<1024x128xf32>
    %mul3A_264 = arith.mulf %get3A_263, %get3A_263 : vector<1024x128xf32>
    %reduce_sum3A = arith.constant dense<0.000000e+00> : vector<1024xf32>
    %reduce_sum3A_265 = vector.multi_reduction <add>, %mul3A_264, %reduce_sum3A [1] : vector<1024x128xf32> to vector<1024xf32>
    %broadcast_in_dim3A_266 = vector.shape_cast %reduce_sum3A_265 : vector<1024xf32> to vector<1024x1xf32>
    %add3A_267 = arith.constant 9.99999997E-7 : f32
    %add3A_268 = vector.broadcast %add3A_267 : f32 to vector<1024x1xf32>
    %add3A_269 = arith.addf %broadcast_in_dim3A_266, %add3A_268 : vector<1024x1xf32>
    %log3A_270 = math.log %add3A_269 : vector<1024x1xf32>
    %transpose3A = tpu.transpose %log3A_270, [1, 0] : vector<1024x1xf32> -> vector<1x1024xf32>
    %reshape3A = vector.shape_cast %transpose3A : vector<1x1024xf32> to vector<1024xf32>
    %swap3A_271 = arith.constant 0 : index
    %swap3A_272 = vector.load %arg2[%swap3A_271] : memref<1024xf32, #tpu.memory_space<vmem>>, vector<1024xf32>
    tpu.vector_store %arg2[%swap3A_271], %reshape3A {strides = array<i32>} : memref<1024xf32, #tpu.memory_space<vmem>>, vector<1024xf32>,
    return
  }
  func.func @transform_0(%arg0: i32) -> (i32, i32) {
    %c0_i32 = arith.constant 0 : i32
    %c0_i32_0 = arith.constant 0 : i32
    return %arg0, %c0_i32 : i32, i32
  }
  func.func @transform_1(%arg0: i32) -> i32 {
    %c0_i32 = arith.constant 0 : i32
    return %arg0 : i32
  }
  func.func @transform_2(%arg0: i32) -> (i32, i32) {
    %c0_i32 = arith.constant 0 : i32
    %c0_i32_0 = arith.constant 0 : i32
    return %arg0, %c0_i32 : i32, i32
  }
}

</mosaic_0001>

<sc_bundles>
// kernel: kernel.6.cloned.1.call-start
scs
__scs_entry_jumppad:
0x0: {  	(pc) =	sbr.rel $0x88, $3  }
0x1: {  	(tag) =	ssettag $0x0;
	lr =	simm.s32 $0x1  }
0x2: {  	[smem:$0x3F9F] =	sst lr;
	_ =	strace $0xD0000000  }
0x3: {  	_ = 	snop  }
0x4: {  	_ = 	snop  }
0x5: {  	_ = 	snop  }
0x6: {  	_ = 	snop  }
0x7: {  	_ = 	snop  }
__scs_overlays_trampoline_lowered:
0x8: {  	[smem:$0x3FAE] =	sst s0  }
0x9: {  	[smem:$0x3FAF] =	sst s1  }
0xa: {  	[smem:$0x3FB0] =	sst s2  }
0xb: {  	[smem:$0x3FB1] =	sst s3  }
0xc: {  	[smem:$0x3FB2] =	sst s4  }
0xd: {  	[smem:$0x3FB3] =	sst s5  }
0xe: {  	[smem:$0x3FB4] =	sst s6  }
0xf: {  	[smem:$0x3FB5] =	sst s7  }
0x10: {  	[smem:$0x3FB6] =	sst s8  }
0x11: {  	[smem:$0x3FB7] =	sst s9;
	s0 =	simm.s32 @!p0 $0x0  }
0x12: {  	s1 =	sld [smem:$0x3F9D];
	s0 =	simm.s32 @p0 $0x1  }
0x13: {  	[smem:$0x3FB8] =	sst s0;
	s0 =	simm.s32 @!p1 $0x0  }
0x14: {  	s2 =	sld [smem:$0x3F9C];
	s0 =	simm.s32 @p1 $0x1  }
0x15: {  	[smem:$0x3FB9] =	sst s0;
	s0 =	simm.s32 @!p2 $0x0  }
0x16: {  	s3 =	sld [smem:$0x3FDB];
	s0 =	simm.s32 @p2 $0x1  }
0x17: {  	s4 =	simm.s32 $0x1BF5;
	[smem:$0x3FBB] =	sst s0  }
0x18: {  	s0 =	sld [smem:$0x3F9E];
	_ =	swait.ge [sflag:s4], $0x0  }
0x19: {  	s7 =	sld [smem:$0x3F9F]  }
0x1a: {  	s8 =	sadd.s32 $0xFFFFE003, lr  }
0x1b: {  	s9 =	sadd.s32 $0xFFFFFEF7, lr;
	s5 =	simm.s32 $0xFFFFFFFF;
	p2 =	slt.u32 s8, $0xFFFFF086  }
0x1c: {  	p1 =	slt.u32 s9, $0xF7A;
	s5 =	simm.s32 @!p2 $0x0  }
0x1d: {  	s5 =	simm.s32 @p1 $0x1;
	p0 =	seq.s32 s7, s2  }
0x1e: {  	s7 =	smul.u32 @!p0 $0xF7A, s2;
	p2 =	seq.s32 @!p0 s5, $0x0  }
0x1f: {  	s9 =	smul.u32 $0xF7A, s1;
	s8 =	simm.s32 @!p0 $0x1BF5;
	p2 =	por !p2, p0  }
0x20: {  	[sflag:s8] =	ssyncset.s32 @!p0 $0xFFFFF086;
	s6 =	sadd.s32 @!p0 s3, s7;
	s7 =	simm.s32 @!p0 $0x108  }
0x21: {  	s3 =	sadd.s32 s3, s9;
	s6 =	sadd.s32 @!p0 $0x88, s6;
	s7 =	simm.s32 @p2 $0x1082  }
0x22: {  	[simem:s7], [sflag:s8] =	dma.local @!p0 [hbm:s6], $0xF7A  }
0x23: {  	s9 =	sor.u32 $0xD0000000, s2;
	s6 =	simm.s32 $0x108;
	_ =	swait.ge @!p0 [sflag:s8], $0x0  }
0x24: {  	s3 =	sadd.s32 $0x88, s3;
	s6 =	simm.s32 @!p1 $0x1082;
	[sflag:s4] =	ssyncset.s32 $0xFFFFF086  }
0x25: {  	[simem:s6], [sflag:s4] =	dma.local [hbm:s3], $0xF7A  }
0x26: {  	[smem:$0x3F9F] =	sst s1;
	(tag) =	ssettag s2;
	_ =	strace s9  }
0x27: {  	s1 =	sld [smem:$0x3FAF]  }
0x28: {  	s2 =	sld [smem:$0x3FB0]  }
0x29: {  	s4 =	sld [smem:$0x3FB2]  }
0x2a: {  	p0 =	seq.s32 s5, $0x0;
	s5 =	sld [smem:$0x3FB3]  }
0x2b: {  	s6 =	sld [smem:$0x3FB4]  }
0x2c: {  	s7 =	sld [smem:$0x3FB5]  }
0x2d: {  	s3 =	simm.s32 $0x108;
	s8 =	sld [smem:$0x3FB6]  }
0x2e: {  	s3 =	simm.s32 @!p0 $0x1082;
	s9 =	sld [smem:$0x3FB7]  }
0x2f: {  	lr =	sadd.s32 s0, s3;
	s0 =	sld [smem:$0x3FAE]  }
0x30: {  	s3 =	sld [smem:$0x3FB1]  }
0x31: {  	[smem:$0x3FBA] =	sst s10  }
0x32: {  	s10 =	sld [smem:$0x3FB8];
	_ =	sdelay $0x3  }
0x33: {  	p0 =	seq.s32 s10, $0x1;
	s10 =	sld [smem:$0x3FBA];
	_ =	sdelay $0x3  }
0x34: {  	[smem:$0x3FBA] =	sst s10  }
0x35: {  	s10 =	sld [smem:$0x3FB9];
	_ =	sdelay $0x3  }
0x36: {  	p1 =	seq.s32 s10, $0x1;
	s10 =	sld [smem:$0x3FBA];
	_ =	sdelay $0x3  }
0x37: {  	[smem:$0x3FBA] =	sst s10  }
0x38: {  	s10 =	sld [smem:$0x3FBB]  }
0x39: {  	_ = 	snop;
	(pc) =	sbr.ind lr, $3  }
0x3a: {  	_ = 	snop  }
0x3b: {  	_ = 	snop  }
0x3c: {  	p2 =	seq.s32 s10, $0x1;
	s10 =	sld [smem:$0x3FBA]  }
0x3d: {  	_ =	shalt  }
0x3e: {  	_ =	shalt  }
0x3f: {  	_ =	shalt  }
0x40: {  	_ =	shalt  }
0x41: {  	_ =	shalt  }
0x42: {  	_ =	shalt  }
0x43: {  	_ =	shalt  }
0x44: {  	_ =	shalt  }
0x45: {  	_ =	shalt  }
0x46: {  	_ =	shalt  }
0x47: {  	_ =	shalt  }
0x48: {  	_ =	shalt  }
0x49: {  	_ =	shalt  }
0x4a: {  	_ =	shalt  }
0x4b: {  	_ =	shalt  }
0x4c: {  	_ =	shalt  }
0x4d: {  	_ =	shalt  }
0x4e: {  	_ =	shalt  }
0x4f: {  	_ =	shalt  }
0x50: {  	_ =	shalt  }
0x51: {  	_ =	shalt  }
0x52: {  	_ =	shalt  }
0x53: {  	_ =	shalt  }
0x54: {  	_ =	shalt  }
0x55: {  	_ =	shalt  }
0x56: {  	_ =	shalt  }
0x57: {  	_ =	shalt  }
0x58: {  	_ =	shalt  }
0x59: {  	_ =	shalt  }
0x5a: {  	_ =	shalt  }
0x5b: {  	_ =	shalt  }
0x5c: {  	_ =	shalt  }
0x5d: {  	_ =	shalt  }
0x5e: {  	_ =	shalt  }
0x5f: {  	_ =	shalt  }
0x60: {  	_ =	shalt  }
0x61: {  	_ =	shalt  }
0x62: {  	_ =	shalt  }
0x63: {  	_ =	shalt  }
0x64: {  	_ =	shalt  }
0x65: {  	_ =	shalt  }
0x66: {  	_ =	shalt  }
0x67: {  	_ =	shalt  }
0x68: {  	_ =	shalt  }
0x69: {  	_ =	shalt  }
0x6a: {  	_ =	shalt  }
0x6b: {  	_ =	shalt  }
0x6c: {  	_ =	shalt  }
0x6d: {  	_ =	shalt  }
0x6e: {  	_ =	shalt  }
0x6f: {  	_ =	shalt  }
0x70: {  	_ =	shalt  }
0x71: {  	_ =	shalt  }
0x72: {  	_ =	shalt  }
0x73: {  	_ =	shalt  }
0x74: {  	_ =	shalt  }
0x75: {  	_ =	shalt  }
0x76: {  	_ =	shalt  }
0x77: {  	_ =	shalt  }
0x78: {  	_ =	shalt  }
0x79: {  	_ =	shalt  }
0x7a: {  	_ =	shalt  }
0x7b: {  	_ =	shalt  }
0x7c: {  	_ =	shalt  }
0x7d: {  	_ =	shalt  }
0x7e: {  	_ =	shalt  }
0x7f: {  	_ =	shalt  }
0x80: {  	_ =	shalt  }
0x81: {  	_ =	shalt  }
0x82: {  	_ =	shalt  }
0x83: {  	_ =	shalt  }
0x84: {  	_ =	shalt  }
0x85: {  	_ =	shalt  }
0x86: {  	_ =	shalt  }
0x87: {  	_ =	shalt  }
.Lfunc_end0:
.L_simem_size_0:
called_computation_lowered:
.L_overlay_start_0:
0x88: {  	s2 =	sld [smem:$0x3FD9]  }
0x89: {  	s3 =	sld [smem:$0x3FFE];
	_ =	sdelay $0x1  }
0x8a: {  	s1 =	srdreg.scid  }
0x8b: {  	s0 =	sand.u32 $0x1, s1  }
0x8c: {  	s17 =	sshll.u32 s0, $0xA;
	s2 =	sadd.s32 s3, s2  }
0x8d: {  	s2 =	sadd.s32 s2, s17  }
0x8e: {  	[smem:$0x3FC6] =	sst s2  }
0x8f: {  	_ = 	snop  }
0x90: {  	s2 =	sld [smem:$0x3FD0];
	(tm) =	ssettm $0x1  }
0x91: {  	s18 =	sld [smem:$0x3FFB];
	_ =	sdelay $0x3  }
0x92: {  	_ =	strace s18  }
0x93: {  	s3 =	sld [smem:$0x3FFC];
	_ =	sdelay $0x3  }
0x94: {  	_ =	strace s3  }
0x95: {  	s3 =	sld [smem:$0x3FFD];
	_ =	sdelay $0x3  }
0x96: {  	_ =	strace s3  }
0x97: {  	_ =	strace $0x8FFFFFFF  }
0x98: {  	s19 =	sld [smem:$0x3FDB];
	_ =	sdelay $0x1  }
0x99: {  	s4 =	simm.s32 $_scs_section_size  }
0x9a: {  	s5 =	simm.s32 $_size__tile_overlayer_lowered;
	s6 =	simm.s32 $_tile_overlayer_lowered  }
0x9b: {  	s22 =	simm.s32 $0x1BFF;
	s21 =	sshll.u32 s6, $0x1;
	s3 =	sadd.s32 s4, s19  }
0x9c: {  	s7 =	simm.s32 $0x0;
	s20 =	sshll.u32 s5, $0x1;
	s5 =	sadd.s32 s21, s3  }
0x9d: {  	[timem:s7], [sflag:s22] =	dma.local [hbm:s5], s20  }
0x9e: {  	_ =	swait.ge [sflag:s22], s20  }
0x9f: {  	s4 =	ssub.s32 $0x0, s20;
	[sflag:s22] =	ssyncset.done $0x0  }
0xa0: {  	[sflag:s22] =	ssyncadd.s32 s4;
	_ =	sdelay $0x1  }
0xa1: {  	s23 =	simm.s32 $0x1B8B  }
0xa2: {  	_ =	swait.ge [sflag:s23], $0x1  }
0xa3: {  	[sflag:s23] =	ssyncset.done $0x0  }
0xa4: {  	s25 =	simm.s32 $0x1B8E;
	s24 =	sld [smem:$0x3FFE];
	[sflag:s23] =	ssyncadd.s32 $0xFFFFFFFF  }
0xa5: {  	s26 =	simm.s32 $execute0_lowered;
	[smem:$0x3FD2] =	sst s25  }
0xa6: {  	s5 =	sshll.u32 s26, $0x1;
	_ =	strace $0x80000046;
	[dreg:$0x1] =	wrdreg $0xFFFFFFFF  }
0xa7: {  	s28 =	simm.s32 $_size_execute0_lowered;
	s3 =	sadd.s32 s3, s5;
	[dreg:$0x0] =	wrdreg $0x0  }
0xa8: {  	s5 =	sshll.u32 s28, $0x1;
	[dreg:$0x2] =	wrdreg s3  }
0xa9: {  	[dreg:$0x3] =	wrdreg s5  }
0xaa: {  	[dreg:$0x4] =	wrdreg $0xC0  }
0xab: {  	_ =	task [dreg:s7], $0x5FFFF  }
0xac: {  	[dreg:$0x1] =	wrdreg $0xFFFFFFFF  }
0xad: {  	[dreg:$0x0] =	wrdreg $0x60  }
0xae: {  	[dreg:$0x2] =	wrdreg s24  }
0xaf: {  	[dreg:$0x3] =	wrdreg s2  }
0xb0: {  	[dreg:$0x4] =	wrdreg $0x9  }
0xb1: {  	_ =	task.clear_ibuf [dreg:s7], $0x5FFFF;
	_ =	strace $0x90000046  }
0xb2: {  	s29 =	simm.s32 $0x9;
	_ =	strace $0x80000048  }
0xb3: {  	_ =	swait.ge [sflag:s29], $0x1  }
0xb4: {  	[sflag:s29] =	ssyncadd.s32 $0xFFFFFFFF  }
0xb5: {  	_ =	strace $0x90000048  }
0xb6: {  	_ =	sfence  }
0xb7: {  	s30 =	sld [smem:$0x0];
	_ =	sdelay $0x2  }
0xb8: {  	s31 =	sshll.u32 s1, $0xD;
	s1 =	sshrl.u32 s1, $0x2  }
0xb9: {  	s3 =	sand.u32 $0x4000, s31;
	s1 =	sadd.s32 s1, s30  }
0xba: {  	s0 =	sor.u32 s3, s0;
	s1 =	sshll.u32 s1, $0x11  }
0xbb: {  	s0 =	sor.u32 s1, s0  }
0xbc: {  	s0 =	sadd.s32 $0x8F2B, s0  }
0xbd: {  	[sflag:s0] =	ssyncadd.remote.s32 $0x1  }
0xbe: {  	_ =	sfence.sel $0xFFFF  }
0xbf: {  	[dreg:$0x0] =	wrdreg $0xFFFFFFFF;
	(pc) =	sbr.abs _section_cstart, $3  }
0xc0: {  	[dreg:$0x1] =	wrdreg $0xFFFFFFFF  }
0xc1: {  	_ =	task.clear_ibuf [dreg:s7], $0x2FFFF;
	_ =	strace $0x9FFFFFFF  }
0xc2: {  	(tm) =	ssettm $0x7FFFFFFF  }
0xc3: {  	_ =	shalt  }
tec
execute0_lowered:
.L_overlay_start_1:
0x0: {  	(tag) =	ssettag $0x1  }
0x1: {  	s1 =	srdreg.scid  }
0x2: {  	s0 =	stileid.u32;
	s5 =	rddreg [dreg:$0x0]  }
0x3: {  	s7 =	rddreg [dreg:$0x1];
	s15 =	simm.s32 $0x8600;
	s16 =	simm.s32 $0x0  }
0x4: {  	s4 =	sand.u32 $0x1, s1;
	s21 =	sshll.u32 s0, $0x1;
	s9 =	smul.u32 $0x260, s0  }
0x5: {  	s1 =	rddreg [dreg:$0x2];
	s12 =	sor.u32 s4, s21;
	s11 =	smul.u32 $0x130, s4  }
0x6: {  	s14 =	ssub.s32 $0x2, s4;
	s3 =	smul.u32 $0x130, s12;
	s2 =	smin.u32 s12, $0x11  }
0x7: {  	s24 =	sshrl.u32 s14, $0x1;
	p0 =	sgt.u32 s12, $0x10;
	s12 =	simm.s32 $0x1  }
0x8: {  	s6 =	sshll.u32 s2, $0x4;
	s2 =	simm.s32 $0x0;
	s22 =	sadd.s32 s11, s9  }
0x9: {  	s8 =	sadd.s32 s3, s6;
	[smem:$0x7FF] =	sst s2;
	s3 =	sadd.s32 $0x15600, s5  }
0xa: {  	s4 =	sadd.s32 s6, s22;
	s10 =	sshll.u32 s8, $0x2;
	_ =	strace $0x80000047  }
0xb: {  	s25 =	sadd.s32 s8, s5;
	s26 =	sshll.u32 s4, $0x7;
	s7 =	sadd.s32 s7, s8  }
0xc: {  	s13 =	sadd.s32 s10, s5;
	s10 =	sand.u32 $0x1FF80, s10;
	s28 =	sand.u32 $0x800, s26  }
.Ltmp0:
0xd: {  	s8 =	sadd.s32 $0x15C00, s25;
	s23 =	sadd.s32 s10, s5;
	(pc) =	sbr.rel .LBB2_1-.Ltmp0, $4  }
0xe: {  	s10 =	ssub.s32 s14, s24;
	s6 =	sadd.s32 $0x1800, s13;
	s29 =	sor.u32 $0x200, s28  }
0xf: {  	s9 =	sadd.s32 $0x9BC0, s28;
	s13 =	simm.s32 $0x5000;
	s14 =	simm.s32 $0x7C00  }
0x10: {  	s5 =	sadd.s32 $0xB600, s23;
	s30 =	sshrl.u32 s29, $0x2;
	s31 =	sshrl.u32 s9, $0x2  }
0x11: {  	v0 =	vlaneseq.u32;
	s9 =	smax.u32 s10, $0x1;
	s10 =	sor.u32 $0x5000, s30;
	s11 =	sor.u32 $0x5000, s31  }
.LBB2_7:
0x12: {  	[hbm4b:s7+s2] =	stream.linear.scatter [tilespmem:s14], [sflag:$0x1], $0x980, $0x38;
	[tilespmem:$0x9000] =	vst v63  }
0x13: {  	_ =	swait.ge [sflag:s12], $0x980  }
0x14: {  	[sflag:s12] =	ssyncset.done $0x0  }
0x15: {  	[sflag:s12] =	ssyncadd.s32 $0xFFFFF680  }
0x16: {  	[hbm4b:s8+s2] =	stream.linear.scatter [tilespmem:s15], [sflag:$0x1], $0x980, $0x38;
	[tilespmem:$0x9000] =	vst v63  }
0x17: {  	_ =	swait.ge [sflag:s12], $0x980  }
0x18: {  	[sflag:s12] =	ssyncset.done $0x0  }
0x19: {  	[sflag:s12] =	ssyncadd.s32 $0xFFFFF680  }
.LBB2_8:
0x1a: {  	s16 =	sadd.s32 $0x1, s16  }
0x1b: {  	p1 =	sne.s32 s16, s9  }
.Ltmp1:
0x1c: {  	_ = 	snop;
	(pc) =	sbr.rel @!p1 .LBB2_9-.Ltmp1, $1  }
0x1d: {  	_ =	sdelay $0x3  }
.LBB2_1:
0x1e: {  	[tilespmem:s2], [sflag:$0x1] =	stream.linear.gather [hbm4b:s3+s2], $0x2800, $0x38;
	[tilespmem:$0x9000] =	vst v63  }
0x1f: {  	_ =	swait.ge [sflag:s12], $0x2800  }
0x20: {  	[sflag:s12] =	ssyncset.done $0x0  }
0x21: {  	[sflag:s12] =	ssyncadd.s32 $0xFFFFD800  }
0x22: {  	[tilespmem:s13], [sflag:$0x1] =	stream.linear.gather [hbm4b:s5+s2], $0x2C00, $0x38;
	[tilespmem:$0x9000] =	vst v63  }
0x23: {  	_ =	swait.ge [sflag:s12], $0x2C00  }
0x24: {  	[sflag:s12] =	ssyncset.done $0x0  }
0x25: {  	s17 =	simm.s32 @p0 $0x0;
	s18 =	simm.s32 @p0 $0x2800;
	[sflag:s12] =	ssyncadd.s32 $0xFFFFD400  }
0x26: {  	[tilespmem:s18], [sflag:$0x1] =	stream.linear.gather @p0 [hbm4b:s6+s17], $0x2600, $0x38;
	[tilespmem:$0x9000] =	vst v63  }
0x27: {  	s17 =	simm.s32 @p0 $0x1  }
0x28: {  	_ =	swait.ge @p0 [sflag:s17], $0x2600  }
0x29: {  	[sflag:s17] =	ssyncset.done @p0 $0x0  }
0x2a: {  	s18 =	simm.s32 @!p0 $0x2800;
	[sflag:s17] =	ssyncadd.s32 @p0 $0xFFFFDA00;
	s17 =	simm.s32 @!p0 $0x0  }
0x2b: {  	[tilespmem:s18], [sflag:$0x1] =	stream.linear.gather @!p0 [hbm4b:s6+s17], $0x2800, $0x38;
	[tilespmem:$0x9000] =	vst v63  }
0x2c: {  	s17 =	simm.s32 @!p0 $0x1  }
0x2d: {  	_ =	swait.ge @!p0 [sflag:s17], $0x2800  }
0x2e: {  	[sflag:s17] =	ssyncset.done @!p0 $0x0  }
0x2f: {  	s24 =	simm.s32 $0xC0;
	[sflag:s17] =	ssyncadd.s32 @!p0 $0xFFFFD800;
	s17 =	simm.s32 $0x2880  }
0x30: {  	s18 =	sor.u32 $0x50, s24;
	v1 =	vld [tilespmem:s17+$0x40]  }
0x31: {  	s19 =	simm.s32 $0x20;
	v3 =	vld [tilespmem:s18+$0x2800]  }
0x32: {  	s20 =	simm.s32 $0x60;
	s19 =	sor.u32 $0x30, s19;
	v5 =	vld [tilespmem:s17+$0xFFFFFF90]  }
0x33: {  	s26 =	simm.s32 $0xA0;
	s20 =	sor.u32 $0x70, s20;
	v7 =	vld [tilespmem:s19+$0x2800]  }
0x34: {  	s28 =	sor.u32 $0x30, s26;
	v4 =	vld [tilespmem:s20+$0x2800]  }
0x35: {  	v2 =	vld [tilespmem:s28+$0x2800]  }
0x36: {  	v8 =	vld [tilespmem:s10+$0x40]  }
0x37: {  	v17 =	vld [tilespmem:s10+$0x50]  }
0x38: {  	v24 =	vld [tilespmem:s17+$0xFFFFFFA0]  }
0x39: {  	v29 =	vld [tilespmem:s17+$0xFFFFFFC0]  }
0x3a: {  	v11 =	vld.idx.msk [tilespmem:v1+s2+$0x0], $0xffff  }
0x3b: {  	v15 =	vld.idx.msk [tilespmem:v3+s2+$0x0], $0xffff  }
0x3c: {  	v14 =	vld [tilespmem:s17+$0xFFFFFFE0]  }
0x3d: {  	v13 =	vld [tilespmem:s17+$0x0]  }
0x3e: {  	v10 =	vld [tilespmem:s17+$0x10]  }
0x3f: {  	v9 =	vld [tilespmem:s17+$0x20];
	v8 =	vadd.f32 v11, v8  }
0x40: {  	v18 =	vld [tilespmem:s17+$0xFFFFFF80];
	v15 =	vadd.f32 v15, v17  }
0x41: {  	v12 =	vld [tilespmem:s17+$0x60];
	(xrf1) =	vsort.dscd.msk.f32 $0xffff, v8, v1  }
0x42: {  	v26 =	vld [tilespmem:s10+$0xFFFFFF80];
	(xrf1) =	vsort.ascd.msk.f32 $0xffff, v15, v3  }
0x43: {  	v27 =	vld [tilespmem:s10+$0xFFFFFF90]  }
0x44: {  	v33 =	vld [tilespmem:s10+$0xFFFFFFA0]  }
0x45: {  	v36 =	vld [tilespmem:s10+$0xFFFFFFB0]  }
0x46: {  	s25 =	simm.s32 $0x40;
	v37 =	vld [tilespmem:s10+$0xFFFFFFC0]  }
0x47: {  	s29 =	simm.s32 $0xE0;
	s18 =	sor.u32 $0x50, s25;
	v62 =	vld [tilespmem:s10+$0xFFFFFFF0]  }
0x48: {  	v16 =	vld [tilespmem:s18+$0x2800];
	s18 =	sor.u32 $0x70, s29  }
0x49: {  	v6 =	vld [tilespmem:s18+$0x2800]  }
0x4a: {  	v30 =	vld.idx.msk [tilespmem:v4+s2+$0x0], $0xffff  }
0x4b: {  	v19 =	vld.idx.msk [tilespmem:v29+s2+$0x0], $0xffff  }
0x4c: {  	v28 =	vld.idx.msk [tilespmem:v14+s2+$0x0], $0xffff  }
0x4d: {  	v25 =	vld.idx.msk [tilespmem:v13+s2+$0x0], $0xffff  }
0x4e: {  	v23 =	vld.idx.msk [tilespmem:v10+s2+$0x0], $0xffff  }
0x4f: {  	v22 =	vld.idx.msk [tilespmem:v9+s2+$0x0], $0xffff;
	v31, v32, _ =	vpop (xrf1)  }
0x50: {  	v21 =	vld.idx.msk [tilespmem:v12+s2+$0x0], $0xffff;
	v34, v35, _ =	vpop (xrf1)  }
0x51: {  	v3 =	vld.idx.msk [tilespmem:v18+s2+$0x0], $0xffff;
	vm0 =	vge.f32 v31, v34  }
0x52: {  	v11 =	vld.idx.msk [tilespmem:v7+s2+$0x0], $0xffff;
	v31 =	vsel vm0, v31, v34;
	v32 =	vsel vm0, v32, v35  }
0x53: {  	v1 =	vld.idx.msk [tilespmem:v5+s2+$0x0], $0xffff;
	(xrf1) =	vsort.dscd.msk.f32 $0xffff, v31, v32  }
0x54: {  	v8 =	vld.idx.msk [tilespmem:v24+s2+$0x0], $0xffff  }
0x55: {  	v17 =	vld.idx.msk [tilespmem:v16+s2+$0x0], $0xffff  }
0x56: {  	v3 =	vadd.f32 v3, v26;
	v26 =	vld [tilespmem:s10+$0xFFFFFFD0]  }
0x57: {  	v20 =	vld.idx.msk [tilespmem:v6+s2+$0x0], $0xffff  }
0x58: {  	v15 =	vld.idx.msk [tilespmem:v2+s2+$0x0], $0xffff;
	v1 =	vadd.f32 v1, v27  }
0x59: {  	v8 =	vadd.f32 v8, v33;
	v31 =	vld [tilespmem:s10+$0xFFFFFFE0];
	(xrf1) =	vsort.dscd.msk.f32 $0xffff, v3, v18  }
0x5a: {  	v27 =	vld [tilespmem:s10+$0x20];
	v3 =	vadd.f32 v11, v36;
	(xrf1) =	vsort.ascd.msk.f32 $0xffff, v1, v5  }
0x5b: {  	s31 =	simm.s32 $0x30;
	s21 =	simm.s32 $0x8;
	s19 =	simm.s32 $0x38;
	v63 =	vadd.f32 v17, v26;
	v18 =	vld [tilespmem:s10+$0x0];
	v5 =	vadd.f32 v19, v37;
	(xrf1) =	vsort.dscd.msk.f32 $0xffff, v8, v24  }
0x5c: {  	s30 =	simm.s32 $0x0;
	s22 =	simm.s32 $0x10;
	s25 =	simm.s32 $0x20;
	v26 =	vor.u32 s31, v0;
	v11 =	vadd.s32 s21, v0;
	v19 =	vld [tilespmem:s10+$0x10];
	v1 =	vadd.s32 s19, v0;
	(xrf1) =	vsort.ascd.msk.f32 $0xffff, v3, v7  }
0x5d: {  	s23 =	simm.s32 $0x28;
	s24 =	simm.s32 $0x18;
	s20 =	simm.s32 $0x0;
	v17 =	vld [tilespmem:s10+$0x30];
	v8 =	vor.u32 s30, v0;
	v7 =	vor.u32 s22, v0;
	v3 =	vor.u32 s25, v0;
	(xrf1) =	vsort.dscd.msk.f32 $0xffff, v5, v29  }
0x5e: {  	s18 =	simm.s32 $0xFFFFFFF8;
	s21 =	smov.u32 s10;
	v24 =	vld [tilespmem:s10+$0x60];
	s22 =	simm.s32 $0x1E0;
	v28 =	vadd.f32 v28, v31;
	v29 =	vadd.f32 v30, v62;
	v5 =	vadd.s32 s24, v0;
	(xrf1) =	vsort.ascd.msk.f32 $0xffff, v63, v16  }
.LBB2_2:
0x5f: {  	s24 =	sadd.s32 $0xFFFFFFE0, s22  }
0x60: {  	s25 =	sadd.s32 s18, s4;
	v16 =	vadd.f32 v25, v18;
	v18 =	vadd.s32 s23, v0;
	v25 =	vld [tilespmem:s21+$0x70];
	s17 =	sadd.s32 $0x100, s17;
	(xrf1) =	vsort.dscd.msk.f32 $0xffff, v28, v14;
	s18 =	smov.u32 s20  }
0x61: {  	s20 =	sadd.s32 $0x8, s20;
	v30 =	vld [tilespmem:s17+$0x40];
	s23 =	sor.u32 $0x50, s24;
	v14 =	vadd.f32 v23, v19;
	s24 =	sadd.s32 $0xE, s25;
	(xrf1) =	vsort.ascd.msk.f32 $0xffff, v29, v4;
	_, v4, _ =	vpop (xrf1)  }
0x62: {  	s26 =	sadd.s32 $0xFFFFFF40, s22;
	s28 =	sadd.s32 $0xFFFFFF60, s22;
	p1 =	slt.u32 s20, $0x128;
	v23 =	vld [tilespmem:s23+$0x2800];
	v22 =	vadd.f32 v22, v27;
	[tilespmem:v26+s14+$0x0] =	vst.idx.msk $0xff, v4;
	v4 =	vmov s24;
	(xrf1) =	vsort.dscd.msk.f32 $0xffff, v16, v13  }
0x63: {  	s23 =	sor.u32 $0x30, s26;
	s24 =	sadd.s32 $0xFFFFFF80, s22;
	s26 =	sadd.s32 $0xFFFFFFC0, s22;
	v19 =	vld [tilespmem:s17+$0xFFFFFF90];
	v13 =	vadd.f32 v15, v17;
	[tilespmem:v26+s15+$0x0] =	vst.idx.msk $0xff, v4;
	(xrf1) =	vsort.ascd.msk.f32 $0xffff, v14, v10  }
0x64: {  	s24 =	sor.u32 $0x70, s24;
	s26 =	sor.u32 $0x30, s26;
	v17 =	vld [tilespmem:s23+$0x2800];
	s23 =	sor.u32 $0x50, s28;
	v15 =	vadd.f32 v21, v24;
	(xrf1) =	vsort.dscd.msk.f32 $0xffff, v22, v9  }
0x65: {  	s29 =	sadd.s32 $0x9, s25;
	s28 =	sadd.s32 $0x8, s25;
	v16 =	vld [tilespmem:s23+$0x2800];
	s23 =	sor.u32 $0x70, s22;
	v22 =	vadd.f32 v20, v25;
	(xrf1) =	vsort.ascd.msk.f32 $0xffff, v13, v2  }
0x66: {  	v21 =	vmov s29;
	s29 =	sadd.s32 $0xC, s25;
	v20 =	vmov s28;
	s28 =	sadd.s32 $0xB, s25;
	v4 =	vld [tilespmem:s24+$0x2800];
	s24 =	sadd.s32 $0xA, s25;
	(xrf1) =	vsort.dscd.msk.f32 $0xffff, v15, v12  }
0x67: {  	s21 =	sadd.s32 $0x100, s21;
	v26 =	vmov s29;
	v32 =	vmov s28;
	v2 =	vld [tilespmem:s26+$0x2800];
	v31 =	vmov s24;
	s24 =	sadd.s32 $0xD, s25;
	s25 =	sadd.s32 $0xF, s25;
	(xrf1) =	vsort.ascd.msk.f32 $0xffff, v22, v6  }
0x68: {  	v6 =	vld [tilespmem:s21+$0x40];
	v29 =	vmov s24;
	v28 =	vmov s25;
	v9, v10, _ =	vpop (xrf1)  }
0x69: {  	v12 =	vld.idx.msk [tilespmem:v30+s2+$0x0], $0xffff;
	v13, v14, _ =	vpop (xrf1)  }
0x6a: {  	v15 =	vld.idx.msk [tilespmem:v23+s2+$0x0], $0xffff;
	vm0 =	vge.f32 v9, v13;
	v22, v25, _ =	vpop (xrf1)  }
0x6b: {  	v33 =	vld [tilespmem:s21+$0x50];
	v37 =	vsel vm0, v9, v13;
	v24 =	vsel vm0, v10, v14;
	v13, v14, _ =	vpop (xrf1)  }
0x6c: {  	v27 =	vld [tilespmem:s17+$0xFFFFFFA0];
	vm0 =	vge.f32 v22, v13;
	(xrf1) =	vsort.dscd.msk.f32 $0xffff, v37, v24;
	v9, v10, _ =	vpop (xrf1)  }
0x6d: {  	v24 =	vld [tilespmem:s17+$0xFFFFFFC0];
	v13 =	vsel vm0, v22, v13;
	v36 =	vsel vm0, v25, v14;
	v25, v34, _ =	vpop (xrf1)  }
0x6e: {  	v14 =	vld [tilespmem:s17+$0xFFFFFFE0];
	vm0 =	vge.f32 v9, v25;
	(xrf1) =	vsort.dscd.msk.f32 $0xffff, v13, v36;
	v22, v35, _ =	vpop (xrf1)  }
0x6f: {  	v6 =	vadd.f32 v12, v6;
	v13 =	vld [tilespmem:s17+$0x0];
	v9 =	vsel vm0, v9, v25;
	v36 =	vsel vm0, v10, v34;
	v25, v34, _ =	vpop (xrf1)  }
0x70: {  	v10 =	vld [tilespmem:s17+$0x10];
	v37 =	vadd.f32 v15, v33;
	vm0 =	vge.f32 v22, v25;
	(xrf1) =	vsort.dscd.msk.f32 $0xffff, v9, v36;
	v12, v33, _ =	vpop (xrf1)  }
0x71: {  	v9 =	vld [tilespmem:s17+$0x20];
	(xrf1) =	vsort.dscd.msk.f32 $0xffff, v6, v30;
	v38 =	vsel vm0, v22, v25;
	v36 =	vsel vm0, v35, v34;
	v30, v34, _ =	vpop (xrf1)  }
0x72: {  	v35 =	vld [tilespmem:s17+$0xFFFFFF80];
	(xrf1) =	vsort.ascd.msk.f32 $0xffff, v37, v23;
	vm0 =	vge.f32 v12, v30;
	v15, v23, _ =	vpop (xrf1)  }
0x73: {  	v6 =	vld [tilespmem:s23+$0x2800];
	v37 =	vsel vm0, v12, v30;
	v34 =	vsel vm0, v33, v34;
	(xrf1) =	vsort.dscd.msk.f32 $0xffff, v38, v36;
	v22, v25, _ =	vpop (xrf1)  }
0x74: {  	v12 =	vld [tilespmem:s17+$0x60];
	vm0 =	vge.f32 v15, v22;
	(xrf1) =	vsort.dscd.msk.f32 $0xffff, v37, v34;
	v30, v33, _ =	vpop (xrf1)  }
0x75: {  	v34 =	vld.idx.msk [tilespmem:v17+s2+$0x0], $0xffff;
	v15 =	vsel vm0, v15, v22;
	v22 =	vsel vm0, v23, v25;
	v23, v25, _ =	vpop (xrf1)  }
0x76: {  	v36 =	vld.idx.msk [tilespmem:v16+s2+$0x0], $0xffff;
	vm0 =	vge.f32 v30, v23;
	(xrf1) =	vsort.dscd.msk.f32 $0xffff, v15, v22  }
0x77: {  	v37 =	vld.idx.msk [tilespmem:v4+s2+$0x0], $0xffff;
	v38 =	vsel vm0, v30, v23;
	v23 =	vsel vm0, v33, v25  }
0x78: {  	v15 =	vld.idx.msk [tilespmem:v2+s2+$0x0], $0xffff;
	(xrf1) =	vsort.dscd.msk.f32 $0xffff, v38, v23  }
0x79: {  	v30 =	vld.idx.msk [tilespmem:v19+s2+$0x0], $0xffff  }
0x7a: {  	v33 =	vld.idx.msk [tilespmem:v35+s2+$0x0], $0xffff;
	_, v22, _ =	vpop (xrf1)  }
0x7b: {  	v38 =	vld.idx.msk [tilespmem:v27+s2+$0x0], $0xffff;
	[tilespmem:v8+s14+$0x0] =	vst.idx.msk $0xff, v22  }
0x7c: {  	v39 =	vld.idx.msk [tilespmem:v24+s2+$0x0], $0xffff;
	[tilespmem:v8+s15+$0x0] =	vst.idx.msk $0xff, v20;
	_, v8, _ =	vpop (xrf1)  }
0x7d: {  	v40 =	vld.idx.msk [tilespmem:v14+s2+$0x0], $0xffff;
	[tilespmem:v11+s14+$0x0] =	vst.idx.msk $0xff, v8  }
0x7e: {  	v25 =	vld.idx.msk [tilespmem:v13+s2+$0x0], $0xffff;
	[tilespmem:v11+s15+$0x0] =	vst.idx.msk $0xff, v21;
	_, v8, _ =	vpop (xrf1)  }
0x7f: {  	v23 =	vld.idx.msk [tilespmem:v10+s2+$0x0], $0xffff;
	v11, v21, _ =	vpop (xrf1);
	[tilespmem:v7+s14+$0x0] =	vst.idx.msk $0xff, v8  }
0x80: {  	v22 =	vld.idx.msk [tilespmem:v9+s2+$0x0], $0xffff;
	v8, v41, _ =	vpop (xrf1);
	[tilespmem:v7+s15+$0x0] =	vst.idx.msk $0xff, v31  }
0x81: {  	vm0 =	vge.f32 v11, v8;
	v20 =	vld.idx.msk [tilespmem:v6+s2+$0x0], $0xffff;
	_, v7, _ =	vpop (xrf1)  }
0x82: {  	v8 =	vsel vm0, v11, v8;
	v11 =	vsel vm0, v21, v41;
	v21 =	vld.idx.msk [tilespmem:v12+s2+$0x0], $0xffff;
	[tilespmem:v5+s14+$0x0] =	vst.idx.msk $0xff, v7;
	_, v7, _ =	vpop (xrf1)  }
0x83: {  	v31 =	vld [tilespmem:s21+$0xFFFFFF80];
	(xrf1) =	vsort.dscd.msk.f32 $0xffff, v8, v11;
	[tilespmem:v5+s15+$0x0] =	vst.idx.msk $0xff, v32  }
0x84: {  	v5 =	vld [tilespmem:s21+$0xFFFFFF90];
	[tilespmem:v3+s14+$0x0] =	vst.idx.msk $0xff, v7;
	_, v7, _ =	vpop (xrf1)  }
0x85: {  	v8 =	vld [tilespmem:s21+$0xFFFFFFA0];
	[tilespmem:v18+s14+$0x0] =	vst.idx.msk $0xff, v7  }
0x86: {  	v7 =	vld [tilespmem:s21+$0xFFFFFFB0];
	[tilespmem:v18+s15+$0x0] =	vst.idx.msk $0xff, v29;
	_, v11, _ =	vpop (xrf1)  }
0x87: {  	v29 =	vld [tilespmem:s21+$0xFFFFFFC0];
	[tilespmem:v1+s14+$0x0] =	vst.idx.msk $0xff, v11  }
0x88: {  	v11 =	vadd.f32 v33, v31;
	v31 =	vld [tilespmem:s21+$0xFFFFFFD0];
	[tilespmem:v1+s15+$0x0] =	vst.idx.msk $0xff, v28  }
0x89: {  	v1 =	vadd.f32 v30, v5;
	v5 =	vld [tilespmem:s21+$0xFFFFFFE0];
	[tilespmem:v3+s15+$0x0] =	vst.idx.msk $0xff, v26  }
0x8a: {  	v3 =	vadd.f32 v38, v8;
	v30 =	vld [tilespmem:s21+$0xFFFFFFF0];
	(xrf1) =	vsort.dscd.msk.f32 $0xffff, v11, v35  }
.Ltmp2:
0x8b: {  	s19 =	sadd.s32 $0x40, s19;
	v7 =	vadd.f32 v34, v7;
	v18 =	vld [tilespmem:s21+$0x0];
	(xrf1) =	vsort.ascd.msk.f32 $0xffff, v1, v19;
	(pc) =	sbr.rel @p1 .LBB2_2-.Ltmp2, $4  }
0x8c: {  	s24 =	sadd.s32 $0xFFFFFFD0, s19;
	s25 =	sadd.s32 $0xFFFFFFF8, s19;
	s23 =	sadd.s32 $0xFFFFFFC8, s19;
	v1 =	vadd.s32 s19, v0;
	v29 =	vadd.f32 v39, v29;
	v19 =	vld [tilespmem:s21+$0x10];
	(xrf1) =	vsort.dscd.msk.f32 $0xffff, v3, v27  }
0x8d: {  	s28 =	sadd.s32 $0xFFFFFFE8, s19;
	s26 =	sadd.s32 $0xFFFFFFE0, s19;
	v26 =	vor.u32 s25, v0;
	v8 =	vor.u32 s23, v0;
	s23 =	sadd.s32 $0xFFFFFFD8, s19;
	v31 =	vadd.f32 v36, v31;
	v27 =	vld [tilespmem:s21+$0x20];
	(xrf1) =	vsort.ascd.msk.f32 $0xffff, v7, v17  }
0x8e: {  	v11 =	vadd.s32 s24, v0;
	v7 =	vor.u32 s23, v0;
	s23 =	sadd.s32 $0xFFFFFFF0, s19;
	v28 =	vadd.f32 v40, v5;
	v17 =	vld [tilespmem:s21+$0x30];
	(xrf1) =	vsort.dscd.msk.f32 $0xffff, v29, v24  }
0x8f: {  	s22 =	sadd.s32 $0x100, s22;
	v3 =	vor.u32 s28, v0;
	v5 =	vadd.s32 s26, v0;
	v29 =	vadd.f32 v37, v30;
	v24 =	vld [tilespmem:s21+$0x60];
	(xrf1) =	vsort.ascd.msk.f32 $0xffff, v31, v16  }
0x90: {  	_ = 	snop  }
0x91: {  	v16 =	vadd.f32 v25, v18;
	v25 =	vld [tilespmem:s21+$0x70];
	(xrf1) =	vsort.dscd.msk.f32 $0xffff, v28, v14  }
0x92: {  	v30 =	vadd.f32 v23, v19;
	(xrf1) =	vsort.ascd.msk.f32 $0xffff, v29, v4  }
0x93: {  	v31 =	vadd.f32 v22, v27;
	(xrf1) =	vsort.dscd.msk.f32 $0xffff, v16, v13  }
0x94: {  	v32 =	vadd.f32 v15, v17;
	(xrf1) =	vsort.ascd.msk.f32 $0xffff, v30, v10  }
0x95: {  	v33 =	vadd.f32 v21, v24;
	(xrf1) =	vsort.dscd.msk.f32 $0xffff, v31, v9  }
0x96: {  	v34 =	vadd.f32 v20, v25;
	(xrf1) =	vsort.ascd.msk.f32 $0xffff, v32, v2  }
0x97: {  	_, v2, _ =	vpop (xrf1);
	(xrf1) =	vsort.dscd.msk.f32 $0xffff, v33, v12  }
0x98: {  	(xrf1) =	vsort.ascd.msk.f32 $0xffff, v34, v6;
	v4, v6, _ =	vpop (xrf1)  }
0x99: {  	v35, v36, _ =	vpop (xrf1)  }
0x9a: {  	v38, v37, _ =	vpop (xrf1);
	vm0 =	vge.f32 v4, v35  }
0x9b: {  	v40, v39, _ =	vpop (xrf1);
	v6 =	vsel vm0, v6, v36  }
0x9c: {  	v4 =	vsel vm0, v4, v35;
	vm10 =	vge.f32 v38, v40  }
0x9d: {  	v13 =	vsel vm10, v37, v39  }
0x9e: {  	v41, v42, _ =	vpop (xrf1);
	v12 =	vsel vm10, v38, v40  }
0x9f: {  	(xrf1) =	vsort.dscd.msk.f32 $0xffff, v4, v6;
	v4, v6, _ =	vpop (xrf1)  }
0xa0: {  	v43, v44, _ =	vpop (xrf1);
	vm11 =	vge.f32 v41, v4  }
0xa1: {  	(xrf1) =	vsort.dscd.msk.f32 $0xffff, v12, v13;
	v12, v13, _ =	vpop (xrf1);
	v6 =	vsel vm11, v42, v6  }
0xa2: {  	v4 =	vsel vm11, v41, v4;
	vm12 =	vge.f32 v43, v12  }
0xa3: {  	v13 =	vsel vm12, v44, v13  }
0xa4: {  	v45, v46, _ =	vpop (xrf1);
	v12 =	vsel vm12, v43, v12  }
0xa5: {  	(xrf1) =	vsort.dscd.msk.f32 $0xffff, v4, v6;
	v4, v6, _ =	vpop (xrf1)  }
0xa6: {  	v47, v48, _ =	vpop (xrf1)  }
0xa7: {  	(xrf1) =	vsort.dscd.msk.f32 $0xffff, v12, v13;
	vm13 =	vge.f32 v45, v4;
	v12, v13, _ =	vpop (xrf1)  }
0xa8: {  	v4 =	vsel vm13, v45, v4;
	v6 =	vsel vm13, v46, v6;
	vm14 =	vge.f32 v47, v12;
	v49, v50, _ =	vpop (xrf1)  }
0xa9: {  	s17 =	sadd.s32 s18, s4;
	(xrf1) =	vsort.dscd.msk.f32 $0xffff, v4, v6;
	v51 =	vsel vm14, v47, v12;
	v52 =	vsel vm14, v48, v13;
	v53, v54, _ =	vpop (xrf1)  }
0xaa: {  	s18 =	sadd.s32 $0xE, s17;
	vm15 =	vge.f32 v49, v53;
	(xrf1) =	vsort.dscd.msk.f32 $0xffff, v51, v52  }
0xab: {  	[tilespmem:v26+s14+$0x0] =	vst.idx.msk $0xff, v2;
	v2 =	vmov s18;
	v55 =	vsel vm15, v49, v53;
	v56 =	vsel vm15, v50, v54  }
0xac: {  	(xrf1) =	vsort.dscd.msk.f32 $0xffff, v55, v56;
	_ =	sdelay $0x2  }
0xad: {  	s25 =	sadd.s32 $0x8, s17;
	[tilespmem:v26+s15+$0x0] =	vst.idx.msk $0xff, v2;
	_, v2, _ =	vpop (xrf1)  }
0xae: {  	v57 =	vmov s25;
	[tilespmem:v8+s14+$0x0] =	vst.idx.msk $0xff, v2  }
0xaf: {  	s26 =	sadd.s32 $0x9, s17;
	[tilespmem:v8+s15+$0x0] =	vst.idx.msk $0xff, v57;
	_, v2, _ =	vpop (xrf1)  }
0xb0: {  	v58 =	vmov s26;
	[tilespmem:v11+s14+$0x0] =	vst.idx.msk $0xff, v2  }
0xb1: {  	s28 =	sadd.s32 $0xA, s17;
	[tilespmem:v11+s15+$0x0] =	vst.idx.msk $0xff, v58;
	_, v2, _ =	vpop (xrf1)  }
0xb2: {  	v59 =	vadd.s32 s23, v0;
	v60 =	vmov s28;
	[tilespmem:v7+s14+$0x0] =	vst.idx.msk $0xff, v2  }
0xb3: {  	s29 =	sadd.s32 $0xB, s17;
	[tilespmem:v7+s15+$0x0] =	vst.idx.msk $0xff, v60;
	_, v2, _ =	vpop (xrf1)  }
0xb4: {  	v61 =	vmov s29;
	[tilespmem:v5+s14+$0x0] =	vst.idx.msk $0xff, v2  }
0xb5: {  	[tilespmem:v5+s15+$0x0] =	vst.idx.msk $0xff, v61;
	_, v2, _ =	vpop (xrf1)  }
0xb6: {  	s30 =	sadd.s32 $0xD, s17;
	[tilespmem:v3+s14+$0x0] =	vst.idx.msk $0xff, v2;
	_, v2, _ =	vpop (xrf1)  }
.Ltmp3:
0xb7: {  	v62 =	vmov s30;
	[tilespmem:v59+s14+$0x0] =	vst.idx.msk $0xff, v2;
	(pc) =	sbr.rel @p0 .LBB2_7-.Ltmp3, $4  }
0xb8: {  	s31 =	sadd.s32 $0xF, s17;
	[tilespmem:v59+s15+$0x0] =	vst.idx.msk $0xff, v62;
	_, v2, _ =	vpop (xrf1)  }
0xb9: {  	s17 =	sadd.s32 $0xC, s17;
	v63 =	vmov s31;
	[tilespmem:v1+s14+$0x0] =	vst.idx.msk $0xff, v2  }
0xba: {  	v2 =	vmov s17;
	[tilespmem:v1+s15+$0x0] =	vst.idx.msk $0xff, v63  }
0xbb: {  	[tilespmem:v3+s15+$0x0] =	vst.idx.msk $0xff, v2  }
0xbc: {  	v8 =	vld [tilespmem:s11+$0xFFFFFFD0]  }
0xbd: {  	s17 =	simm.s32 $0x4EE0;
	s18 =	simm.s32 $0x26C0;
	v17 =	vld [tilespmem:s11+$0xFFFFFFE0]  }
0xbe: {  	v1 =	vld [tilespmem:s17+$0xFFFFFFE0];
	s18 =	sor.u32 $0x50, s18  }
0xbf: {  	v3 =	vld [tilespmem:s18+$0x2800]  }
0xc0: {  	v26 =	vld [tilespmem:s11+$0xFFFFFF10]  }
0xc1: {  	v27 =	vld [tilespmem:s11+$0xFFFFFF20]  }
0xc2: {  	v33 =	vld [tilespmem:s11+$0xFFFFFF30]  }
0xc3: {  	v36 =	vld [tilespmem:s11+$0xFFFFFF40]  }
0xc4: {  	v37 =	vld [tilespmem:s11+$0xFFFFFF50]  }
0xc5: {  	v62 =	vld [tilespmem:s11+$0xFFFFFF80]  }
0xc6: {  	v11 =	vld.idx.msk [tilespmem:v1+s2+$0x0], $0xffff  }
0xc7: {  	v15 =	vld.idx.msk [tilespmem:v3+s2+$0x0], $0xffff  }
0xc8: {  	v5 =	vld [tilespmem:s17+$0xFFFFFF30]  }
0xc9: {  	v24 =	vld [tilespmem:s17+$0xFFFFFF40]  }
0xca: {  	v29 =	vld [tilespmem:s17+$0xFFFFFF60]  }
0xcb: {  	v14 =	vld [tilespmem:s17+$0xFFFFFF80];
	v8 =	vadd.f32 v11, v8  }
0xcc: {  	v13 =	vld [tilespmem:s17+$0xFFFFFFA0];
	v15 =	vadd.f32 v15, v17  }
0xcd: {  	v10 =	vld [tilespmem:s17+$0xFFFFFFB0];
	(xrf1) =	vsort.dscd.msk.f32 $0xffff, v8, v1  }
0xce: {  	v9 =	vld [tilespmem:s17+$0xFFFFFFC0];
	(xrf1) =	vsort.ascd.msk.f32 $0xffff, v15, v3  }
0xcf: {  	s19 =	simm.s32 $0x2620;
	v18 =	vld [tilespmem:s17+$0xFFFFFF20]  }
0xd0: {  	s20 =	simm.s32 $0x2660;
	s19 =	sor.u32 $0x30, s19;
	v12 =	vld [tilespmem:s17+$0x0]  }
0xd1: {  	s26 =	simm.s32 $0x26A0;
	s20 =	sor.u32 $0x70, s20;
	v7 =	vld [tilespmem:s19+$0x2800]  }
0xd2: {  	s25 =	simm.s32 $0x2640;
	s28 =	sor.u32 $0x30, s26;
	v4 =	vld [tilespmem:s20+$0x2800]  }
0xd3: {  	s29 =	simm.s32 $0x26E0;
	s18 =	sor.u32 $0x50, s25;
	v2 =	vld [tilespmem:s28+$0x2800]  }
0xd4: {  	v16 =	vld [tilespmem:s18+$0x2800];
	s18 =	sor.u32 $0x70, s29  }
0xd5: {  	v6 =	vld [tilespmem:s18+$0x2800]  }
0xd6: {  	v19 =	vld.idx.msk [tilespmem:v29+s2+$0x0], $0xffff  }
0xd7: {  	v28 =	vld.idx.msk [tilespmem:v14+s2+$0x0], $0xffff  }
0xd8: {  	v25 =	vld.idx.msk [tilespmem:v13+s2+$0x0], $0xffff  }
0xd9: {  	v23 =	vld.idx.msk [tilespmem:v10+s2+$0x0], $0xffff  }
0xda: {  	v22 =	vld.idx.msk [tilespmem:v9+s2+$0x0], $0xffff  }
0xdb: {  	v21 =	vld.idx.msk [tilespmem:v12+s2+$0x0], $0xffff;
	v31, v32, _ =	vpop (xrf1)  }
0xdc: {  	v30 =	vld.idx.msk [tilespmem:v4+s2+$0x0], $0xffff;
	v34, v35, _ =	vpop (xrf1)  }
0xdd: {  	v3 =	vld.idx.msk [tilespmem:v18+s2+$0x0], $0xffff;
	vm0 =	vge.f32 v31, v34  }
0xde: {  	v11 =	vld.idx.msk [tilespmem:v7+s2+$0x0], $0xffff;
	v31 =	vsel vm0, v31, v34;
	v32 =	vsel vm0, v32, v35  }
0xdf: {  	v1 =	vld.idx.msk [tilespmem:v5+s2+$0x0], $0xffff;
	(xrf1) =	vsort.dscd.msk.f32 $0xffff, v31, v32  }
0xe0: {  	v8 =	vld.idx.msk [tilespmem:v24+s2+$0x0], $0xffff  }
0xe1: {  	v17 =	vld.idx.msk [tilespmem:v16+s2+$0x0], $0xffff  }
0xe2: {  	v3 =	vadd.f32 v3, v26;
	v26 =	vld [tilespmem:s11+$0xFFFFFF60]  }
0xe3: {  	v20 =	vld.idx.msk [tilespmem:v6+s2+$0x0], $0xffff  }
0xe4: {  	v15 =	vld.idx.msk [tilespmem:v2+s2+$0x0], $0xffff;
	v1 =	vadd.f32 v1, v27  }
0xe5: {  	v8 =	vadd.f32 v8, v33;
	v31 =	vld [tilespmem:s11+$0xFFFFFF70];
	(xrf1) =	vsort.dscd.msk.f32 $0xffff, v3, v18  }
0xe6: {  	v27 =	vld [tilespmem:s11+$0xFFFFFFB0];
	v3 =	vadd.f32 v11, v36;
	(xrf1) =	vsort.ascd.msk.f32 $0xffff, v1, v5  }
0xe7: {  	s31 =	simm.s32 $0x9B0;
	s21 =	simm.s32 $0x988;
	s19 =	simm.s32 $0x9B8;
	v63 =	vadd.f32 v17, v26;
	v18 =	vld [tilespmem:s11+$0xFFFFFF90];
	v5 =	vadd.f32 v19, v37;
	(xrf1) =	vsort.dscd.msk.f32 $0xffff, v8, v24  }
0xe8: {  	s30 =	simm.s32 $0x980;
	s22 =	simm.s32 $0x990;
	s25 =	simm.s32 $0x9A0;
	v26 =	vor.u32 s31, v0;
	v11 =	vadd.s32 s21, v0;
	v19 =	vld [tilespmem:s11+$0xFFFFFFA0];
	v1 =	vadd.s32 s19, v0;
	(xrf1) =	vsort.ascd.msk.f32 $0xffff, v3, v7  }
0xe9: {  	s24 =	simm.s32 $0x998;
	s23 =	simm.s32 $0x9A8;
	s20 =	simm.s32 $0x130;
	v17 =	vld [tilespmem:s11+$0xFFFFFFC0];
	v8 =	vor.u32 s30, v0;
	v7 =	vor.u32 s22, v0;
	v3 =	vor.u32 s25, v0;
	(xrf1) =	vsort.dscd.msk.f32 $0xffff, v5, v29  }
0xea: {  	s18 =	simm.s32 $0x128;
	s21 =	smov.u32 s11;
	v24 =	vld [tilespmem:s11+$0xFFFFFFF0];
	s22 =	simm.s32 $0x27E0;
	v28 =	vadd.f32 v28, v31;
	v29 =	vadd.f32 v30, v62;
	v5 =	vadd.s32 s24, v0;
	(xrf1) =	vsort.ascd.msk.f32 $0xffff, v63, v16  }
.LBB2_5:
0xeb: {  	s24 =	sadd.s32 $0xFFFFFFE0, s22  }
0xec: {  	s25 =	sadd.s32 s18, s4;
	v16 =	vadd.f32 v25, v18;
	v18 =	vadd.s32 s23, v0;
	v25 =	vld [tilespmem:s21+$0x0];
	s17 =	sadd.s32 $0x100, s17;
	(xrf1) =	vsort.dscd.msk.f32 $0xffff, v28, v14;
	s18 =	smov.u32 s20  }
0xed: {  	s20 =	sadd.s32 $0x8, s20;
	v30 =	vld [tilespmem:s17+$0xFFFFFFE0];
	s23 =	sor.u32 $0x50, s24;
	v14 =	vadd.f32 v23, v19;
	s24 =	sadd.s32 $0xE, s25;
	(xrf1) =	vsort.ascd.msk.f32 $0xffff, v29, v4;
	_, v4, _ =	vpop (xrf1)  }
0xee: {  	s26 =	sadd.s32 $0xFFFFFF40, s22;
	s28 =	sadd.s32 $0xFFFFFF60, s22;
	p1 =	slt.u32 s20, $0x138;
	v23 =	vld [tilespmem:s23+$0x2800];
	v22 =	vadd.f32 v22, v27;
	[tilespmem:v26+s14+$0x0] =	vst.idx.msk $0xff, v4;
	v4 =	vmov s24;
	(xrf1) =	vsort.dscd.msk.f32 $0xffff, v16, v13  }
0xef: {  	s23 =	sor.u32 $0x30, s26;
	s24 =	sadd.s32 $0xFFFFFF80, s22;
	s26 =	sadd.s32 $0xFFFFFFC0, s22;
	v19 =	vld [tilespmem:s17+$0xFFFFFF30];
	v13 =	vadd.f32 v15, v17;
	[tilespmem:v26+s15+$0x0] =	vst.idx.msk $0xff, v4;
	(xrf1) =	vsort.ascd.msk.f32 $0xffff, v14, v10  }
0xf0: {  	s24 =	sor.u32 $0x70, s24;
	s26 =	sor.u32 $0x30, s26;
	v17 =	vld [tilespmem:s23+$0x2800];
	s23 =	sor.u32 $0x50, s28;
	v15 =	vadd.f32 v21, v24;
	(xrf1) =	vsort.dscd.msk.f32 $0xffff, v22, v9  }
0xf1: {  	s29 =	sadd.s32 $0x9, s25;
	s28 =	sadd.s32 $0x8, s25;
	v16 =	vld [tilespmem:s23+$0x2800];
	s23 =	sor.u32 $0x70, s22;
	v22 =	vadd.f32 v20, v25;
	(xrf1) =	vsort.ascd.msk.f32 $0xffff, v13, v2  }
0xf2: {  	v21 =	vmov s29;
	s29 =	sadd.s32 $0xC, s25;
	v20 =	vmov s28;
	s28 =	sadd.s32 $0xB, s25;
	v4 =	vld [tilespmem:s24+$0x2800];
	s24 =	sadd.s32 $0xA, s25;
	(xrf1) =	vsort.dscd.msk.f32 $0xffff, v15, v12  }
0xf3: {  	s21 =	sadd.s32 $0x100, s21;
	v26 =	vmov s29;
	v32 =	vmov s28;
	v2 =	vld [tilespmem:s26+$0x2800];
	v31 =	vmov s24;
	s24 =	sadd.s32 $0xD, s25;
	s25 =	sadd.s32 $0xF, s25;
	(xrf1) =	vsort.ascd.msk.f32 $0xffff, v22, v6  }
0xf4: {  	v6 =	vld [tilespmem:s21+$0xFFFFFFD0];
	v29 =	vmov s24;
	v28 =	vmov s25;
	v9, v10, _ =	vpop (xrf1)  }
0xf5: {  	v12 =	vld.idx.msk [tilespmem:v30+s2+$0x0], $0xffff;
	v13, v14, _ =	vpop (xrf1)  }
0xf6: {  	v15 =	vld.idx.msk [tilespmem:v23+s2+$0x0], $0xffff;
	vm0 =	vge.f32 v9, v13;
	v22, v25, _ =	vpop (xrf1)  }
0xf7: {  	v33 =	vld [tilespmem:s21+$0xFFFFFFE0];
	v37 =	vsel vm0, v9, v13;
	v24 =	vsel vm0, v10, v14;
	v13, v14, _ =	vpop (xrf1)  }
0xf8: {  	v27 =	vld [tilespmem:s17+$0xFFFFFF40];
	vm0 =	vge.f32 v22, v13;
	(xrf1) =	vsort.dscd.msk.f32 $0xffff, v37, v24;
	v9, v10, _ =	vpop (xrf1)  }
0xf9: {  	v24 =	vld [tilespmem:s17+$0xFFFFFF60];
	v13 =	vsel vm0, v22, v13;
	v36 =	vsel vm0, v25, v14;
	v25, v34, _ =	vpop (xrf1)  }
0xfa: {  	v14 =	vld [tilespmem:s17+$0xFFFFFF80];
	vm0 =	vge.f32 v9, v25;
	(xrf1) =	vsort.dscd.msk.f32 $0xffff, v13, v36;
	v22, v35, _ =	vpop (xrf1)  }
0xfb: {  	v6 =	vadd.f32 v12, v6;
	v13 =	vld [tilespmem:s17+$0xFFFFFFA0];
	v9 =	vsel vm0, v9, v25;
	v36 =	vsel vm0, v10, v34;
	v25, v34, _ =	vpop (xrf1)  }
0xfc: {  	v10 =	vld [tilespmem:s17+$0xFFFFFFB0];
	v37 =	vadd.f32 v15, v33;
	vm0 =	vge.f32 v22, v25;
	(xrf1) =	vsort.dscd.msk.f32 $0xffff, v9, v36;
	v12, v33, _ =	vpop (xrf1)  }
0xfd: {  	v9 =	vld [tilespmem:s17+$0xFFFFFFC0];
	(xrf1) =	vsort.dscd.msk.f32 $0xffff, v6, v30;
	v38 =	vsel vm0, v22, v25;
	v36 =	vsel vm0, v35, v34;
	v30, v34, _ =	vpop (xrf1)  }
0xfe: {  	v35 =	vld [tilespmem:s17+$0xFFFFFF20];
	(xrf1) =	vsort.ascd.msk.f32 $0xffff, v37, v23;
	vm0 =	vge.f32 v12, v30;
	v15, v23, _ =	vpop (xrf1)  }
0xff: {  	v6 =	vld [tilespmem:s23+$0x2800];
	v37 =	vsel vm0, v12, v30;
	v34 =	vsel vm0, v33, v34;
	(xrf1) =	vsort.dscd.msk.f32 $0xffff, v38, v36;
	v22, v25, _ =	vpop (xrf1)  }
0x100: {  	v12 =	vld [tilespmem:s17+$0x0];
	vm0 =	vge.f32 v15, v22;
	(xrf1) =	vsort.dscd.msk.f32 $0xffff, v37, v34;
	v30, v33, _ =	vpop (xrf1)  }
0x101: {  	v34 =	vld.idx.msk [tilespmem:v17+s2+$0x0], $0xffff;
	v15 =	vsel vm0, v15, v22;
	v22 =	vsel vm0, v23, v25;
	v23, v25, _ =	vpop (xrf1)  }
0x102: {  	v36 =	vld.idx.msk [tilespmem:v16+s2+$0x0], $0xffff;
	vm0 =	vge.f32 v30, v23;
	(xrf1) =	vsort.dscd.msk.f32 $0xffff, v15, v22  }
0x103: {  	v37 =	vld.idx.msk [tilespmem:v4+s2+$0x0], $0xffff;
	v38 =	vsel vm0, v30, v23;
	v23 =	vsel vm0, v33, v25  }
0x104: {  	v15 =	vld.idx.msk [tilespmem:v2+s2+$0x0], $0xffff;
	(xrf1) =	vsort.dscd.msk.f32 $0xffff, v38, v23  }
0x105: {  	v30 =	vld.idx.msk [tilespmem:v19+s2+$0x0], $0xffff  }
0x106: {  	v33 =	vld.idx.msk [tilespmem:v35+s2+$0x0], $0xffff;
	_, v22, _ =	vpop (xrf1)  }
0x107: {  	v38 =	vld.idx.msk [tilespmem:v27+s2+$0x0], $0xffff;
	[tilespmem:v8+s14+$0x0] =	vst.idx.msk $0xff, v22  }
0x108: {  	v39 =	vld.idx.msk [tilespmem:v24+s2+$0x0], $0xffff;
	[tilespmem:v8+s15+$0x0] =	vst.idx.msk $0xff, v20;
	_, v8, _ =	vpop (xrf1)  }
0x109: {  	v40 =	vld.idx.msk [tilespmem:v14+s2+$0x0], $0xffff;
	[tilespmem:v11+s14+$0x0] =	vst.idx.msk $0xff, v8  }
0x10a: {  	v25 =	vld.idx.msk [tilespmem:v13+s2+$0x0], $0xffff;
	[tilespmem:v11+s15+$0x0] =	vst.idx.msk $0xff, v21;
	_, v8, _ =	vpop (xrf1)  }
0x10b: {  	v23 =	vld.idx.msk [tilespmem:v10+s2+$0x0], $0xffff;
	v11, v21, _ =	vpop (xrf1);
	[tilespmem:v7+s14+$0x0] =	vst.idx.msk $0xff, v8  }
0x10c: {  	v22 =	vld.idx.msk [tilespmem:v9+s2+$0x0], $0xffff;
	v8, v41, _ =	vpop (xrf1);
	[tilespmem:v7+s15+$0x0] =	vst.idx.msk $0xff, v31  }
0x10d: {  	vm0 =	vge.f32 v11, v8;
	v20 =	vld.idx.msk [tilespmem:v6+s2+$0x0], $0xffff;
	_, v7, _ =	vpop (xrf1)  }
0x10e: {  	v8 =	vsel vm0, v11, v8;
	v11 =	vsel vm0, v21, v41;
	v21 =	vld.idx.msk [tilespmem:v12+s2+$0x0], $0xffff;
	[tilespmem:v5+s14+$0x0] =	vst.idx.msk $0xff, v7;
	_, v7, _ =	vpop (xrf1)  }
0x10f: {  	v31 =	vld [tilespmem:s21+$0xFFFFFF10];
	(xrf1) =	vsort.dscd.msk.f32 $0xffff, v8, v11;
	[tilespmem:v5+s15+$0x0] =	vst.idx.msk $0xff, v32  }
0x110: {  	v5 =	vld [tilespmem:s21+$0xFFFFFF20];
	[tilespmem:v3+s14+$0x0] =	vst.idx.msk $0xff, v7;
	_, v7, _ =	vpop (xrf1)  }
0x111: {  	v8 =	vld [tilespmem:s21+$0xFFFFFF30];
	[tilespmem:v18+s14+$0x0] =	vst.idx.msk $0xff, v7  }
0x112: {  	v7 =	vld [tilespmem:s21+$0xFFFFFF40];
	[tilespmem:v18+s15+$0x0] =	vst.idx.msk $0xff, v29;
	_, v11, _ =	vpop (xrf1)  }
0x113: {  	v29 =	vld [tilespmem:s21+$0xFFFFFF50];
	[tilespmem:v1+s14+$0x0] =	vst.idx.msk $0xff, v11  }
0x114: {  	v11 =	vadd.f32 v33, v31;
	v31 =	vld [tilespmem:s21+$0xFFFFFF60];
	[tilespmem:v1+s15+$0x0] =	vst.idx.msk $0xff, v28  }
0x115: {  	v1 =	vadd.f32 v30, v5;
	v5 =	vld [tilespmem:s21+$0xFFFFFF70];
	[tilespmem:v3+s15+$0x0] =	vst.idx.msk $0xff, v26  }
0x116: {  	v3 =	vadd.f32 v38, v8;
	v30 =	vld [tilespmem:s21+$0xFFFFFF80];
	(xrf1) =	vsort.dscd.msk.f32 $0xffff, v11, v35  }
.Ltmp4:
0x117: {  	s19 =	sadd.s32 $0x40, s19;
	v7 =	vadd.f32 v34, v7;
	v18 =	vld [tilespmem:s21+$0xFFFFFF90];
	(xrf1) =	vsort.ascd.msk.f32 $0xffff, v1, v19;
	(pc) =	sbr.rel @p1 .LBB2_5-.Ltmp4, $4  }
0x118: {  	s24 =	sadd.s32 $0xFFFFFFD0, s19;
	s25 =	sadd.s32 $0xFFFFFFF8, s19;
	s23 =	sadd.s32 $0xFFFFFFC8, s19;
	v1 =	vadd.s32 s19, v0;
	v29 =	vadd.f32 v39, v29;
	v19 =	vld [tilespmem:s21+$0xFFFFFFA0];
	(xrf1) =	vsort.dscd.msk.f32 $0xffff, v3, v27  }
0x119: {  	s28 =	sadd.s32 $0xFFFFFFE8, s19;
	s26 =	sadd.s32 $0xFFFFFFE0, s19;
	v26 =	vor.u32 s25, v0;
	v8 =	vor.u32 s23, v0;
	s23 =	sadd.s32 $0xFFFFFFD8, s19;
	v31 =	vadd.f32 v36, v31;
	v27 =	vld [tilespmem:s21+$0xFFFFFFB0];
	(xrf1) =	vsort.ascd.msk.f32 $0xffff, v7, v17  }
0x11a: {  	v11 =	vadd.s32 s24, v0;
	v7 =	vor.u32 s23, v0;
	s23 =	sadd.s32 $0xFFFFFFF0, s19;
	v28 =	vadd.f32 v40, v5;
	v17 =	vld [tilespmem:s21+$0xFFFFFFC0];
	(xrf1) =	vsort.dscd.msk.f32 $0xffff, v29, v24  }
0x11b: {  	s22 =	sadd.s32 $0x100, s22;
	v3 =	vor.u32 s28, v0;
	v5 =	vadd.s32 s26, v0;
	v29 =	vadd.f32 v37, v30;
	v24 =	vld [tilespmem:s21+$0xFFFFFFF0];
	(xrf1) =	vsort.ascd.msk.f32 $0xffff, v31, v16  }
0x11c: {  	_ = 	snop  }
0x11d: {  	v16 =	vadd.f32 v25, v18;
	v25 =	vld [tilespmem:s21+$0x0];
	(xrf1) =	vsort.dscd.msk.f32 $0xffff, v28, v14  }
0x11e: {  	v30 =	vadd.f32 v23, v19;
	(xrf1) =	vsort.ascd.msk.f32 $0xffff, v29, v4  }
0x11f: {  	v31 =	vadd.f32 v22, v27;
	(xrf1) =	vsort.dscd.msk.f32 $0xffff, v16, v13  }
0x120: {  	v32 =	vadd.f32 v15, v17;
	(xrf1) =	vsort.ascd.msk.f32 $0xffff, v30, v10  }
0x121: {  	v33 =	vadd.f32 v21, v24;
	(xrf1) =	vsort.dscd.msk.f32 $0xffff, v31, v9  }
0x122: {  	v34 =	vadd.f32 v20, v25;
	(xrf1) =	vsort.ascd.msk.f32 $0xffff, v32, v2  }
0x123: {  	_, v2, _ =	vpop (xrf1);
	(xrf1) =	vsort.dscd.msk.f32 $0xffff, v33, v12  }
0x124: {  	(xrf1) =	vsort.ascd.msk.f32 $0xffff, v34, v6;
	v4, v6, _ =	vpop (xrf1)  }
0x125: {  	v35, v36, _ =	vpop (xrf1)  }
0x126: {  	v38, v37, _ =	vpop (xrf1);
	vm0 =	vge.f32 v4, v35  }
0x127: {  	v40, v39, _ =	vpop (xrf1);
	v6 =	vsel vm0, v6, v36  }
0x128: {  	v4 =	vsel vm0, v4, v35;
	vm10 =	vge.f32 v38, v40  }
0x129: {  	v13 =	vsel vm10, v37, v39  }
0x12a: {  	v41, v42, _ =	vpop (xrf1);
	v12 =	vsel vm10, v38, v40  }
0x12b: {  	(xrf1) =	vsort.dscd.msk.f32 $0xffff, v4, v6;
	v4, v6, _ =	vpop (xrf1)  }
0x12c: {  	v43, v44, _ =	vpop (xrf1);
	vm11 =	vge.f32 v41, v4  }
0x12d: {  	(xrf1) =	vsort.dscd.msk.f32 $0xffff, v12, v13;
	v12, v13, _ =	vpop (xrf1);
	v6 =	vsel vm11, v42, v6  }
0x12e: {  	v4 =	vsel vm11, v41, v4;
	vm12 =	vge.f32 v43, v12  }
0x12f: {  	v13 =	vsel vm12, v44, v13  }
0x130: {  	v45, v46, _ =	vpop (xrf1);
	v12 =	vsel vm12, v43, v12  }
0x131: {  	(xrf1) =	vsort.dscd.msk.f32 $0xffff, v4, v6;
	v4, v6, _ =	vpop (xrf1)  }
0x132: {  	v47, v48, _ =	vpop (xrf1)  }
0x133: {  	(xrf1) =	vsort.dscd.msk.f32 $0xffff, v12, v13;
	vm13 =	vge.f32 v45, v4;
	v12, v13, _ =	vpop (xrf1)  }
0x134: {  	v4 =	vsel vm13, v45, v4;
	v6 =	vsel vm13, v46, v6;
	vm14 =	vge.f32 v47, v12;
	v49, v50, _ =	vpop (xrf1)  }
0x135: {  	s17 =	sadd.s32 s18, s4;
	(xrf1) =	vsort.dscd.msk.f32 $0xffff, v4, v6;
	v51 =	vsel vm14, v47, v12;
	v52 =	vsel vm14, v48, v13;
	v53, v54, _ =	vpop (xrf1)  }
0x136: {  	s18 =	sadd.s32 $0xE, s17;
	vm15 =	vge.f32 v49, v53;
	(xrf1) =	vsort.dscd.msk.f32 $0xffff, v51, v52  }
0x137: {  	[tilespmem:v26+s14+$0x0] =	vst.idx.msk $0xff, v2;
	v2 =	vmov s18;
	v55 =	vsel vm15, v49, v53;
	v56 =	vsel vm15, v50, v54  }
0x138: {  	(xrf1) =	vsort.dscd.msk.f32 $0xffff, v55, v56;
	_ =	sdelay $0x2  }
0x139: {  	s25 =	sadd.s32 $0x8, s17;
	[tilespmem:v26+s15+$0x0] =	vst.idx.msk $0xff, v2;
	_, v2, _ =	vpop (xrf1)  }
0x13a: {  	v57 =	vmov s25;
	[tilespmem:v8+s14+$0x0] =	vst.idx.msk $0xff, v2  }
0x13b: {  	s26 =	sadd.s32 $0x9, s17;
	[tilespmem:v8+s15+$0x0] =	vst.idx.msk $0xff, v57;
	_, v2, _ =	vpop (xrf1)  }
0x13c: {  	v58 =	vmov s26;
	[tilespmem:v11+s14+$0x0] =	vst.idx.msk $0xff, v2  }
0x13d: {  	s28 =	sadd.s32 $0xA, s17;
	[tilespmem:v11+s15+$0x0] =	vst.idx.msk $0xff, v58;
	_, v2, _ =	vpop (xrf1)  }
0x13e: {  	v59 =	vadd.s32 s23, v0;
	v60 =	vmov s28;
	[tilespmem:v7+s14+$0x0] =	vst.idx.msk $0xff, v2  }
0x13f: {  	s29 =	sadd.s32 $0xB, s17;
	[tilespmem:v7+s15+$0x0] =	vst.idx.msk $0xff, v60;
	_, v2, _ =	vpop (xrf1)  }
0x140: {  	v61 =	vmov s29;
	[tilespmem:v5+s14+$0x0] =	vst.idx.msk $0xff, v2  }
0x141: {  	[tilespmem:v5+s15+$0x0] =	vst.idx.msk $0xff, v61;
	_, v2, _ =	vpop (xrf1)  }
0x142: {  	s30 =	sadd.s32 $0xD, s17;
	[tilespmem:v3+s14+$0x0] =	vst.idx.msk $0xff, v2;
	_, v2, _ =	vpop (xrf1)  }
0x143: {  	v62 =	vmov s30;
	[tilespmem:v59+s14+$0x0] =	vst.idx.msk $0xff, v2  }
0x144: {  	s31 =	sadd.s32 $0xF, s17;
	[tilespmem:v59+s15+$0x0] =	vst.idx.msk $0xff, v62;
	_, v2, _ =	vpop (xrf1)  }
0x145: {  	s17 =	sadd.s32 $0xC, s17;
	v63 =	vmov s31;
	[tilespmem:v1+s14+$0x0] =	vst.idx.msk $0xff, v2  }
0x146: {  	v2 =	vmov s17;
	[tilespmem:v1+s15+$0x0] =	vst.idx.msk $0xff, v63  }
0x147: {  	[tilespmem:v3+s15+$0x0] =	vst.idx.msk $0xff, v2  }
0x148: {  	[hbm4b:s7+s2] =	stream.linear.scatter [tilespmem:s14], [sflag:$0x1], $0xA00, $0x38;
	[tilespmem:$0x9000] =	vst v63  }
0x149: {  	_ =	swait.ge [sflag:s12], $0xA00  }
0x14a: {  	[sflag:s12] =	ssyncset.done $0x0  }
.Ltmp5:
0x14b: {  	[sflag:s12] =	ssyncadd.s32 $0xFFFFF600;
	(pc) =	sbr.rel .LBB2_8-.Ltmp5, $4  }
0x14c: {  	[hbm4b:s8+s2] =	stream.linear.scatter [tilespmem:s15], [sflag:$0x1], $0xA00, $0x38;
	[tilespmem:$0x9000] =	vst v63  }
0x14d: {  	_ =	swait.ge [sflag:s12], $0xA00  }
0x14e: {  	[sflag:s12] =	ssyncset.done $0x0  }
0x14f: {  	[sflag:s12] =	ssyncadd.s32 $0xFFFFF600  }
.LBB2_9:
0x150: {  	_ =	sfence.sel $0x180000  }
0x151: {  	[bflag:$0x0] =	sbarrier.arrive $0xFFFF  }
0x152: {  	p0 =	sne.s32 s0, $0x0;
	_ =	strace $0x90000047  }
0x153: {  	s0 =	sadd.s32 @!p0 $0x100000, s1;
	[bflag:$0x2] =	sbarrier.arrive $0xFFFF  }
0x154: {  	[sflag:s0] =	ssyncadd.tile.s32 @!p0 $0x1;
	_ =	shalt  }
.Lfunc_end2:
_tile_overlayer_lowered:
.L_overlay_start_2:
0x155: {  	(tag) =	ssettag $0x2  }
0x156: {  	s0 =	rddreg [dreg:$0x0];
	s2 =	stileid.u32  }
0x157: {  	s1 =	rddreg [dreg:$0x1];
	p0 =	sne.s32 s2, $0x0  }
0x158: {  	s3 =	rddreg [dreg:$0x2];
	[bflag:$0x3] =	sbarrier.arrive $0xFFFF;
	s2 =	simm.s32 @!p0 $0x1C01  }
0x159: {  	[timem:s3], [sflag:s2] =	dma.local @!p0 [hbm:s0], s1  }
0x15a: {  	s0 =	simm.s32 @!p0 $0x1  }
0x15b: {  	_ =	swait.ge @!p0 [sflag:s0], s1  }
0x15c: {  	s1 =	ssub.s32 @!p0 $0x0, s1;
	[sflag:s0] =	ssyncset.done @!p0 $0x0  }
0x15d: {  	[sflag:s0] =	ssyncadd.s32 @!p0 s1  }
0x15e: {  	[bflag:$0x3] =	sbarrier.arrive $0xFFFF  }
0x15f: {  	_ =	shalt  }

</sc_bundles>
